<compile_context>
chip_gen: v7x
topology: tpu7x:2x2x1
jax: 0.10.2.dev20260603
libtpu: 0.0.44.dev20260713+nightly
codegen_flags: <defaults>
</compile_context>

<pallas_src>
import functools

import jax
import jax.numpy as jnp
from jax import lax
from jax.experimental import pallas as pl
from jax.experimental.pallas import tpu as pltpu
from jax.experimental.pallas import tpu_sc as plsc

KV_HEADS = 4
HEAD_DIM = 128
GATE_DIM = 128
KV = KV_HEADS * HEAD_DIM

NUM_WORKERS = 32
GATHER_WINDOW = 64
TC_BLOCK = 2048


def _sc_gather(embed_table, ids2d):
    n = ids2d.shape[0] * ids2d.shape[1]
    per_w = n // NUM_WORKERS
    n_win = per_w // GATHER_WINDOW
    mesh = plsc.VectorSubcoreMesh(core_axis_name="c", subcore_axis_name="s")

    @functools.partial(
        pl.kernel,
        out_type=jax.ShapeDtypeStruct((n, KV), embed_table.dtype),
        mesh=mesh,
        scratch_types=[
            pltpu.VMEM((per_w,), jnp.int32),
            pltpu.VMEM((GATHER_WINDOW, KV), jnp.float32),
            pltpu.VMEM((GATHER_WINDOW, KV), jnp.float32),
            pltpu.VMEM((GATHER_WINDOW, KV), jnp.float32),
            pltpu.SemaphoreType.DMA,
            pltpu.SemaphoreType.DMA,
            pltpu.SemaphoreType.DMA,
            pltpu.SemaphoreType.DMA,
            pltpu.SemaphoreType.DMA,
            pltpu.SemaphoreType.DMA,
        ],
    )
    def gather_kernel(table_hbm, ids_hbm, out_hbm,
                      idx_v, buf0, buf1, buf2, gs0, gs1, gs2, ws0, ws1, ws2):
        wid = lax.axis_index("s") * 2 + lax.axis_index("c")
        base = wid * per_w
        w_per_row = ids_hbm.shape[1] // per_w
        pltpu.sync_copy(
            ids_hbm.at[wid // w_per_row,
                       pl.ds((wid % w_per_row) * per_w, per_w)],
            idx_v)

        bufs = (buf0, buf1, buf2)
        gsems = (gs0, gs1, gs2)
        wsems = (ws0, ws1, ws2)
        nbuf = len(bufs)
        gathers = [None] * nbuf
        writes = [None] * nbuf

        def issue_gather(w):
            b = w % nbuf
            gathers[b] = pltpu.async_copy(
                table_hbm.at[idx_v.at[pl.ds(w * GATHER_WINDOW,
                                            GATHER_WINDOW)]],
                bufs[b], gsems[b])

        for w in range(min(nbuf - 1, n_win)):
            issue_gather(w)
        for w in range(n_win):
            b = w % nbuf
            gathers[b].wait()
            wn = w + nbuf - 1
            if wn < n_win:
                bn = wn % nbuf
                if writes[bn] is not None:
                    writes[bn].wait()
                issue_gather(wn)
            writes[b] = pltpu.async_copy(
                bufs[b],
                out_hbm.at[pl.ds(base + w * GATHER_WINDOW, GATHER_WINDOW)],
                wsems[b])
        for wr in writes:
            if wr is not None:
                wr.wait()

    return gather_kernel(embed_table, ids2d)


GATE_BLOCK = 1024


def _tc_gate_kernel(x_ref, w_ref, b_ref, s_ref):
    logits = jnp.dot(x_ref[0], w_ref[...],
                     preferred_element_type=jnp.float32)
    s_ref[...] = 2.0 * jax.nn.sigmoid(logits[:, :KV_HEADS] + b_ref[...])


def _tc_gate(x, w_t, b_row):
    bsz, seq, _ = x.shape
    t_blocks = seq // GATE_BLOCK
    return pl.pallas_call(
        _tc_gate_kernel,
        out_shape=jax.ShapeDtypeStruct((bsz * seq, KV_HEADS), jnp.float32),
        grid=(bsz, t_blocks),
        in_specs=[
            pl.BlockSpec((1, GATE_BLOCK, GATE_DIM), lambda bi, ti: (bi, ti, 0)),
            pl.BlockSpec((GATE_DIM, 128), lambda bi, ti: (0, 0)),
            pl.BlockSpec((1, KV_HEADS), lambda bi, ti: (0, 0)),
        ],
        out_specs=pl.BlockSpec((GATE_BLOCK, KV_HEADS),
                               lambda bi, ti: (bi * t_blocks + ti, 0)),
    )(x, w_t, b_row)


def _tc_scale_kernel(ve_ref, s_ref, out_ref):
    s = s_ref[...]
    for h in range(KV_HEADS):
        out_ref[0, :, h, :] = (ve_ref[:, h * HEAD_DIM:(h + 1) * HEAD_DIM]
                               * s[:, h][:, None])


def _tc_scale_chunk_kernel(prev_ref, ve_ref, s_ref, out_ref):
    del prev_ref
    _tc_scale_kernel(ve_ref, s_ref, out_ref)


N_CHUNKS = 2


def _tc_scale_chunk(out_prev, ve_k, s, k, bsz, seq):
    ck = (bsz * seq) // N_CHUNKS
    t_blocks = ck // TC_BLOCK
    tb_per_b = seq // TC_BLOCK
    base_blk = (k * ck) // TC_BLOCK

    def out_idx(ti):
        flat = base_blk + ti
        return (flat // tb_per_b, flat % tb_per_b, 0, 0)

    ve_spec = pl.BlockSpec((TC_BLOCK, KV), lambda ti: (ti, 0))
    s_spec = pl.BlockSpec((TC_BLOCK, KV_HEADS),
                          lambda ti: (base_blk + ti, 0))
    out_spec = pl.BlockSpec((1, TC_BLOCK, KV_HEADS, HEAD_DIM), out_idx)
    out_shape = jax.ShapeDtypeStruct((bsz, seq, KV_HEADS, HEAD_DIM),
                                     jnp.float32)
    if out_prev is None:
        return pl.pallas_call(
            _tc_scale_kernel,
            out_shape=out_shape,
            grid=(t_blocks,),
            in_specs=[ve_spec, s_spec],
            out_specs=out_spec,
        )(ve_k, s)
    return pl.pallas_call(
        _tc_scale_chunk_kernel,
        out_shape=out_shape,
        grid=(t_blocks,),
        in_specs=[pl.BlockSpec(memory_space=pl.ANY), ve_spec, s_spec],
        out_specs=out_spec,
        input_output_aliases={0: 0},
    )(out_prev, ve_k, s)


def kernel(input_ids, x, layer_idx, embed_table, gate_W, gate_b):
    b, t = input_ids.shape
    n = b * t
    ck = n // N_CHUNKS

    w_pad = jnp.zeros((GATE_DIM, 128), gate_W.dtype).at[:, :KV_HEADS].set(
        gate_W.T)
    s = _tc_gate(x, w_pad, gate_b.reshape(1, KV_HEADS))
    if N_CHUNKS == 1:
        ves = [_sc_gather(embed_table, input_ids)]
    else:
        ids_flat = input_ids.reshape(1, n)
        ves = [_sc_gather(embed_table, lax.slice(ids_flat, (0, k * ck),
                                                 (1, (k + 1) * ck)))
               for k in range(N_CHUNKS)]
    out = None
    for k in range(N_CHUNKS):
        out = _tc_scale_chunk(out, ves[k], s, k, b, t)
    return out

# --- scband reference (transcript-rebuilt; emitter-appended) ---
"""Pipeline reference for scband-value-embedding-5557687681264 (READ-ONLY COPY).

The authoritative reference and input builder live on the scoring server;
editing this copy changes nothing except your own understanding.
"""

import jax, jax.numpy as jnp
import numpy as np

VOCAB = 100000
KV_HEADS = 4
HEAD_DIM = 128
GATE_DIM = 128
B, T, D = 2, 4096, 2048


def setup_inputs(seed: int = 0) -> dict:
    key = jax.random.key(seed)
    k1, k2, k3, k4 = jax.random.split(key, 4)
    input_ids = jax.random.randint(k1, (B, T), 0, VOCAB, dtype=jnp.int32)
    x = jax.random.normal(k2, (B, T, D), dtype=jnp.float32)
    embed_table = jax.random.normal(k3, (VOCAB, KV_HEADS * HEAD_DIM), dtype=jnp.float32) * 0.02
    gate_W = jax.random.normal(k4, (KV_HEADS, GATE_DIM), dtype=jnp.float32) * (1.0 / np.sqrt(GATE_DIM))
    gate_b = jnp.zeros((KV_HEADS,), dtype=jnp.float32)
    return {"input_ids": input_ids, "x": x, "layer_idx": 0,
            "embed_table": embed_table, "gate_W": gate_W, "gate_b": gate_b}


def reference(input_ids, x, layer_idx, embed_table, gate_W, gate_b):
    # layer_idx=0 is in layer_map and maps to embedding index 0
    ve = jnp.take(embed_table, input_ids, axis=0)            # (B, T, KV) gather == nn.Embedding
    gate_input = x[..., :GATE_DIM]                           # (B, T, GATE_DIM)
    gate = 2.0 * jax.nn.sigmoid(gate_input @ gate_W.T + gate_b)  # (B, T, KV_HEADS)
    ve = ve.reshape(B, T, KV_HEADS, HEAD_DIM)
    return gate[..., None] * ve                              # (B, T, KV_HEADS, HEAD_DIM)

if __name__ == "__main__":
    import jax
    _d = setup_inputs()
    print(jax.jit(kernel)(*tuple(_d.values())))

</pallas_src>

<mosaic_0001>
#map = affine_map<(d0, d1) -> (0, 0)>
module attributes {stable_mosaic.version = 14 : i64} {
  func.func @gather_kernel(%arg0: i32, %arg1: i32, %arg2: memref<100000x512xf32, #tpu.memory_space<hbm>>, %arg3: memref<1x4096xi32, #tpu.memory_space<hbm>>, %arg4: memref<4096x512xf32, #tpu.memory_space<hbm>>, %arg5: memref<128xi32, #tpu.memory_space<vmem>>, %arg6: memref<64x512xf32, #tpu.memory_space<vmem>>, %arg7: memref<64x512xf32, #tpu.memory_space<vmem>>, %arg8: memref<64x512xf32, #tpu.memory_space<vmem>>, %arg9: memref<!tpu.dma_semaphore, #tpu.memory_space<semaphore_mem>>, %arg10: memref<!tpu.dma_semaphore, #tpu.memory_space<semaphore_mem>>, %arg11: memref<!tpu.dma_semaphore, #tpu.memory_space<semaphore_mem>>, %arg12: memref<!tpu.dma_semaphore, #tpu.memory_space<semaphore_mem>>, %arg13: memref<!tpu.dma_semaphore, #tpu.memory_space<semaphore_mem>>, %arg14: memref<!tpu.dma_semaphore, #tpu.memory_space<semaphore_mem>>) attributes {dimension_semantics = [#tpu.dimension_semantics<core_parallel>, #tpu.dimension_semantics<subcore_parallel>], iteration_bounds = array<i64: 2, 16>, scalar_prefetch = 0 : i64, scratch_operands = 10 : i64, tpu.core_type = #tpu.core_type<sc_vector_subcore>, window_params = [{transform_indices = #map}, {transform_indices = #map}, {transform_indices = #map}]} {
    %mul3A = arith.constant 2 : i32
    %mul3A_0 = arith.muli %arg1, %mul3A : i32
    %add3A = arith.addi %mul3A_0, %arg0 : i32
    %mul3A_1 = arith.constant 128 : i32
    %mul3A_2 = arith.muli %add3A, %mul3A_1 : i32
    %jit3A = arith.constant 32 : i32
    %div3A = arith.divsi %add3A, %jit3A : i32
    %sign3A = arith.constant 0 : i32
    %sign3A_3 = arith.cmpi sgt, %add3A, %sign3A : i32
    %sign3A_4 = arith.extui %sign3A_3 : i1 to i32
    %sign3A_5 = arith.constant 0 : i32
    %sign3A_6 = arith.cmpi slt, %add3A, %sign3A_5 : i32
    %sign3A_7 = arith.extui %sign3A_6 : i1 to i32
    %sign3A_8 = arith.subi %sign3A_4, %sign3A_7 : i32
    %sign3A_9 = arith.constant 0 : i32
    %sign3A_10 = arith.cmpi sgt, %jit3A, %sign3A_9 : i32
    %sign3A_11 = arith.extui %sign3A_10 : i1 to i32
    %sign3A_12 = arith.constant 0 : i32
    %sign3A_13 = arith.cmpi slt, %jit3A, %sign3A_12 : i32
    %sign3A_14 = arith.extui %sign3A_13 : i1 to i32
    %sign3A_15 = arith.subi %sign3A_11, %sign3A_14 : i32
    %ne3A = arith.cmpi ne, %sign3A_8, %sign3A_15 : i32
    %rem3A = arith.remsi %add3A, %jit3A : i32
    %ne3A_16 = arith.constant 0 : i32
    %ne3A_17 = arith.cmpi ne, %rem3A, %ne3A_16 : i32
    %and3A = arith.andi %ne3A, %ne3A_17 : i1
    %sub3A = arith.constant 1 : i32
    %sub3A_18 = arith.subi %div3A, %sub3A : i32
    %select_n3A = arith.select %and3A, %sub3A_18, %div3A : i32
    %jit3A_19 = arith.constant 32 : i32
    %eq3A = arith.constant 0 : i32
    %eq3A_20 = arith.cmpi eq, %jit3A_19, %eq3A : i32
    %jit3A_21 = arith.constant 1 : i32
    %select_n3A_22 = arith.select %eq3A_20, %jit3A_21, %jit3A_19 : i32
    %rem3A_23 = arith.remsi %add3A, %select_n3A_22 : i32
    %ne3A_24 = arith.constant 0 : i32
    %ne3A_25 = arith.cmpi ne, %rem3A_23, %ne3A_24 : i32
    %lt3A = arith.constant 0 : i32
    %lt3A_26 = arith.cmpi slt, %rem3A_23, %lt3A : i32
    %lt3A_27 = arith.constant 0 : i32
    %lt3A_28 = arith.cmpi slt, %select_n3A_22, %lt3A_27 : i32
    %ne3A_29 = arith.xori %lt3A_26, %lt3A_28 : i1
    %and3A_30 = arith.andi %ne3A_29, %ne3A_25 : i1
    %add3A_31 = arith.addi %rem3A_23, %select_n3A_22 : i32
    %select_n3A_32 = arith.select %and3A_30, %add3A_31, %rem3A_23 : i32
    %mul3A_33 = arith.constant 128 : i32
    %mul3A_34 = arith.muli %select_n3A_32, %mul3A_33 : i32
    "tpu.region"() ({
      %run_scoped3A = tpu.sem_alloc : memref<!tpu.dma_semaphore, #tpu.memory_space<semaphore_mem>>
      %dma_start3A_73 = tpu.memref_slice %arg3[%select_n3A, %mul3A_34] : memref<1x4096xi32, #tpu.memory_space<hbm>> -> memref<1x128xi32, #tpu.memory_space<hbm>>
      %dma_start3A_74 = tpu.memref_squeeze %dma_start3A_73 : memref<1x128xi32, #tpu.memory_space<hbm>> -> memref<128xi32, #tpu.memory_space<hbm>>
      %dma_start3A_75 = tpu.memref_slice %arg3[%select_n3A, %mul3A_34] : memref<1x4096xi32, #tpu.memory_space<hbm>> -> memref<1x128xi32, #tpu.memory_space<hbm>>
      %dma_start3A_76 = tpu.memref_squeeze %dma_start3A_75 : memref<1x128xi32, #tpu.memory_space<hbm>> -> memref<128xi32, #tpu.memory_space<hbm>>
      tpu.enqueue_dma source(%dma_start3A_76 : memref<128xi32, #tpu.memory_space<hbm>>) target(%arg5 : memref<128xi32, #tpu.memory_space<vmem>>) target_semaphore(%run_scoped3A : memref<!tpu.dma_semaphore, #tpu.memory_space<semaphore_mem>>)
      %dma_wait3A_77 = tpu.memref_slice %arg3[%select_n3A, %mul3A_34] : memref<1x4096xi32, #tpu.memory_space<hbm>> -> memref<1x128xi32, #tpu.memory_space<hbm>>
      %dma_wait3A_78 = tpu.memref_squeeze %dma_wait3A_77 : memref<1x128xi32, #tpu.memory_space<hbm>> -> memref<128xi32, #tpu.memory_space<hbm>>
      %dma_wait3A_79 = tpu.memref_slice %arg3[%select_n3A, %mul3A_34] : memref<1x4096xi32, #tpu.memory_space<hbm>> -> memref<1x128xi32, #tpu.memory_space<hbm>>
      %dma_wait3A_80 = tpu.memref_squeeze %dma_wait3A_79 : memref<1x128xi32, #tpu.memory_space<hbm>> -> memref<128xi32, #tpu.memory_space<hbm>>
      tpu.wait_dma2 semaphore(%run_scoped3A : memref<!tpu.dma_semaphore, #tpu.memory_space<semaphore_mem>>) src(%dma_wait3A_80 : memref<128xi32, #tpu.memory_space<hbm>>) dst(%arg5 : memref<128xi32, #tpu.memory_space<vmem>>)
      tpu.yield
    }) : () -> ()
    %dma_start3A = arith.constant 0 : i32
    %dma_start3A_35 = tpu.memref_slice %arg5[%dma_start3A] : memref<128xi32, #tpu.memory_space<vmem>> -> memref<64xi32, #tpu.memory_space<vmem>>
    %dma_start3A_36 = arith.constant 0 : i32
    %dma_start3A_37 = arith.constant 0 : i32
    %dma_start3A_38 = tpu.memref_slice %arg2[%dma_start3A_36, %dma_start3A_37] : memref<100000x512xf32, #tpu.memory_space<hbm>> -> memref<100000x512xf32, #tpu.memory_space<hbm>>
    tpu.enqueue_indirect_dma source(%dma_start3A_38 : memref<100000x512xf32, #tpu.memory_space<hbm>>) target(%arg6 : memref<64x512xf32, #tpu.memory_space<vmem>>) offsets(%dma_start3A_35 : memref<64xi32, #tpu.memory_space<vmem>>) semaphore(%arg9 : memref<!tpu.dma_semaphore, #tpu.memory_space<semaphore_mem>>)
    %dma_start3A_39 = arith.constant 64 : i32
    %dma_start3A_40 = tpu.memref_slice %arg5[%dma_start3A_39] : memref<128xi32, #tpu.memory_space<vmem>> -> memref<64xi32, #tpu.memory_space<vmem>>
    %dma_start3A_41 = arith.constant 0 : i32
    %dma_start3A_42 = arith.constant 0 : i32
    %dma_start3A_43 = tpu.memref_slice %arg2[%dma_start3A_41, %dma_start3A_42] : memref<100000x512xf32, #tpu.memory_space<hbm>> -> memref<100000x512xf32, #tpu.memory_space<hbm>>
    tpu.enqueue_indirect_dma source(%dma_start3A_43 : memref<100000x512xf32, #tpu.memory_space<hbm>>) target(%arg7 : memref<64x512xf32, #tpu.memory_space<vmem>>) offsets(%dma_start3A_40 : memref<64xi32, #tpu.memory_space<vmem>>) semaphore(%arg10 : memref<!tpu.dma_semaphore, #tpu.memory_space<semaphore_mem>>)
    %dma_wait3A = arith.constant 0 : i32
    %dma_wait3A_44 = tpu.memref_slice %arg5[%dma_wait3A] : memref<128xi32, #tpu.memory_space<vmem>> -> memref<64xi32, #tpu.memory_space<vmem>>
    %dma_wait3A_45 = arith.constant 0 : i32
    %dma_wait3A_46 = arith.constant 0 : i32
    %dma_wait3A_47 = tpu.memref_slice %arg2[%dma_wait3A_45, %dma_wait3A_46] : memref<100000x512xf32, #tpu.memory_space<hbm>> -> memref<100000x512xf32, #tpu.memory_space<hbm>>
    tpu.wait_indirect_dma semaphore(%arg9 : memref<!tpu.dma_semaphore, #tpu.memory_space<semaphore_mem>>) src(%dma_wait3A_47 : memref<100000x512xf32, #tpu.memory_space<hbm>>) dst(%arg6 : memref<64x512xf32, #tpu.memory_space<vmem>>)
    %add3A_48 = arith.constant 0 : i32
    %add3A_49 = arith.addi %mul3A_2, %add3A_48 : i32
    %dma_start3A_50 = arith.constant 0 : i32
    %dma_start3A_51 = tpu.memref_slice %arg4[%add3A_49, %dma_start3A_50] : memref<4096x512xf32, #tpu.memory_space<hbm>> -> memref<64x512xf32, #tpu.memory_space<hbm>>
    %dma_start3A_52 = arith.constant 0 : i32
    %dma_start3A_53 = tpu.memref_slice %arg4[%add3A_49, %dma_start3A_52] : memref<4096x512xf32, #tpu.memory_space<hbm>> -> memref<64x512xf32, #tpu.memory_space<hbm>>
    tpu.enqueue_dma source(%arg6 : memref<64x512xf32, #tpu.memory_space<vmem>>) target(%dma_start3A_53 : memref<64x512xf32, #tpu.memory_space<hbm>>) target_semaphore(%arg12 : memref<!tpu.dma_semaphore, #tpu.memory_space<semaphore_mem>>)
    %dma_wait3A_54 = arith.constant 64 : i32
    %dma_wait3A_55 = tpu.memref_slice %arg5[%dma_wait3A_54] : memref<128xi32, #tpu.memory_space<vmem>> -> memref<64xi32, #tpu.memory_space<vmem>>
    %dma_wait3A_56 = arith.constant 0 : i32
    %dma_wait3A_57 = arith.constant 0 : i32
    %dma_wait3A_58 = tpu.memref_slice %arg2[%dma_wait3A_56, %dma_wait3A_57] : memref<100000x512xf32, #tpu.memory_space<hbm>> -> memref<100000x512xf32, #tpu.memory_space<hbm>>
    tpu.wait_indirect_dma semaphore(%arg10 : memref<!tpu.dma_semaphore, #tpu.memory_space<semaphore_mem>>) src(%dma_wait3A_58 : memref<100000x512xf32, #tpu.memory_space<hbm>>) dst(%arg7 : memref<64x512xf32, #tpu.memory_space<vmem>>)
    %add3A_59 = arith.constant 64 : i32
    %add3A_60 = arith.addi %mul3A_2, %add3A_59 : i32
    %dma_start3A_61 = arith.constant 0 : i32
    %dma_start3A_62 = tpu.memref_slice %arg4[%add3A_60, %dma_start3A_61] : memref<4096x512xf32, #tpu.memory_space<hbm>> -> memref<64x512xf32, #tpu.memory_space<hbm>>
    %dma_start3A_63 = arith.constant 0 : i32
    %dma_start3A_64 = tpu.memref_slice %arg4[%add3A_60, %dma_start3A_63] : memref<4096x512xf32, #tpu.memory_space<hbm>> -> memref<64x512xf32, #tpu.memory_space<hbm>>
    tpu.enqueue_dma source(%arg7 : memref<64x512xf32, #tpu.memory_space<vmem>>) target(%dma_start3A_64 : memref<64x512xf32, #tpu.memory_space<hbm>>) target_semaphore(%arg13 : memref<!tpu.dma_semaphore, #tpu.memory_space<semaphore_mem>>)
    %dma_wait3A_65 = arith.constant 0 : i32
    %dma_wait3A_66 = tpu.memref_slice %arg4[%add3A_49, %dma_wait3A_65] : memref<4096x512xf32, #tpu.memory_space<hbm>> -> memref<64x512xf32, #tpu.memory_space<hbm>>
    %dma_wait3A_67 = arith.constant 0 : i32
    %dma_wait3A_68 = tpu.memref_slice %arg4[%add3A_49, %dma_wait3A_67] : memref<4096x512xf32, #tpu.memory_space<hbm>> -> memref<64x512xf32, #tpu.memory_space<hbm>>
    tpu.wait_dma2 semaphore(%arg12 : memref<!tpu.dma_semaphore, #tpu.memory_space<semaphore_mem>>) src(%arg6 : memref<64x512xf32, #tpu.memory_space<vmem>>) dst(%dma_wait3A_68 : memref<64x512xf32, #tpu.memory_space<hbm>>)
    %dma_wait3A_69 = arith.constant 0 : i32
    %dma_wait3A_70 = tpu.memref_slice %arg4[%add3A_60, %dma_wait3A_69] : memref<4096x512xf32, #tpu.memory_space<hbm>> -> memref<64x512xf32, #tpu.memory_space<hbm>>
    %dma_wait3A_71 = arith.constant 0 : i32
    %dma_wait3A_72 = tpu.memref_slice %arg4[%add3A_60, %dma_wait3A_71] : memref<4096x512xf32, #tpu.memory_space<hbm>> -> memref<64x512xf32, #tpu.memory_space<hbm>>
    tpu.wait_dma2 semaphore(%arg13 : memref<!tpu.dma_semaphore, #tpu.memory_space<semaphore_mem>>) src(%arg7 : memref<64x512xf32, #tpu.memory_space<vmem>>) dst(%dma_wait3A_72 : memref<64x512xf32, #tpu.memory_space<hbm>>)
    return
  }
}

#map = affine_map<(d0, d1) -> (0, 0)>
module attributes {stable_mosaic.version = 14 : i64} {
  func.func @gather_kernel(%arg0: i32, %arg1: i32, %arg2: memref<100000x512xf32, #tpu.memory_space<hbm>>, %arg3: memref<1x4096xi32, #tpu.memory_space<hbm>>, %arg4: memref<4096x512xf32, #tpu.memory_space<hbm>>, %arg5: memref<128xi32, #tpu.memory_space<vmem>>, %arg6: memref<64x512xf32, #tpu.memory_space<vmem>>, %arg7: memref<64x512xf32, #tpu.memory_space<vmem>>, %arg8: memref<64x512xf32, #tpu.memory_space<vmem>>, %arg9: memref<!tpu.dma_semaphore, #tpu.memory_space<semaphore_mem>>, %arg10: memref<!tpu.dma_semaphore, #tpu.memory_space<semaphore_mem>>, %arg11: memref<!tpu.dma_semaphore, #tpu.memory_space<semaphore_mem>>, %arg12: memref<!tpu.dma_semaphore, #tpu.memory_space<semaphore_mem>>, %arg13: memref<!tpu.dma_semaphore, #tpu.memory_space<semaphore_mem>>, %arg14: memref<!tpu.dma_semaphore, #tpu.memory_space<semaphore_mem>>) attributes {dimension_semantics = [#tpu.dimension_semantics<core_parallel>, #tpu.dimension_semantics<subcore_parallel>], iteration_bounds = array<i64: 2, 16>, scalar_prefetch = 0 : i64, scratch_operands = 10 : i64, tpu.core_type = #tpu.core_type<sc_vector_subcore>, window_params = [{transform_indices = #map}, {transform_indices = #map}, {transform_indices = #map}]} {
    %mul3A = arith.constant 2 : i32
    %mul3A_0 = arith.muli %arg1, %mul3A : i32
    %add3A = arith.addi %mul3A_0, %arg0 : i32
    %mul3A_1 = arith.constant 128 : i32
    %mul3A_2 = arith.muli %add3A, %mul3A_1 : i32
    %jit3A = arith.constant 32 : i32
    %div3A = arith.divsi %add3A, %jit3A : i32
    %sign3A = arith.constant 0 : i32
    %sign3A_3 = arith.cmpi sgt, %add3A, %sign3A : i32
    %sign3A_4 = arith.extui %sign3A_3 : i1 to i32
    %sign3A_5 = arith.constant 0 : i32
    %sign3A_6 = arith.cmpi slt, %add3A, %sign3A_5 : i32
    %sign3A_7 = arith.extui %sign3A_6 : i1 to i32
    %sign3A_8 = arith.subi %sign3A_4, %sign3A_7 : i32
    %sign3A_9 = arith.constant 0 : i32
    %sign3A_10 = arith.cmpi sgt, %jit3A, %sign3A_9 : i32
    %sign3A_11 = arith.extui %sign3A_10 : i1 to i32
    %sign3A_12 = arith.constant 0 : i32
    %sign3A_13 = arith.cmpi slt, %jit3A, %sign3A_12 : i32
    %sign3A_14 = arith.extui %sign3A_13 : i1 to i32
    %sign3A_15 = arith.subi %sign3A_11, %sign3A_14 : i32
    %ne3A = arith.cmpi ne, %sign3A_8, %sign3A_15 : i32
    %rem3A = arith.remsi %add3A, %jit3A : i32
    %ne3A_16 = arith.constant 0 : i32
    %ne3A_17 = arith.cmpi ne, %rem3A, %ne3A_16 : i32
    %and3A = arith.andi %ne3A, %ne3A_17 : i1
    %sub3A = arith.constant 1 : i32
    %sub3A_18 = arith.subi %div3A, %sub3A : i32
    %select_n3A = arith.select %and3A, %sub3A_18, %div3A : i32
    %jit3A_19 = arith.constant 32 : i32
    %eq3A = arith.constant 0 : i32
    %eq3A_20 = arith.cmpi eq, %jit3A_19, %eq3A : i32
    %jit3A_21 = arith.constant 1 : i32
    %select_n3A_22 = arith.select %eq3A_20, %jit3A_21, %jit3A_19 : i32
    %rem3A_23 = arith.remsi %add3A, %select_n3A_22 : i32
    %ne3A_24 = arith.constant 0 : i32
    %ne3A_25 = arith.cmpi ne, %rem3A_23, %ne3A_24 : i32
    %lt3A = arith.constant 0 : i32
    %lt3A_26 = arith.cmpi slt, %rem3A_23, %lt3A : i32
    %lt3A_27 = arith.constant 0 : i32
    %lt3A_28 = arith.cmpi slt, %select_n3A_22, %lt3A_27 : i32
    %ne3A_29 = arith.xori %lt3A_26, %lt3A_28 : i1
    %and3A_30 = arith.andi %ne3A_29, %ne3A_25 : i1
    %add3A_31 = arith.addi %rem3A_23, %select_n3A_22 : i32
    %select_n3A_32 = arith.select %and3A_30, %add3A_31, %rem3A_23 : i32
    %mul3A_33 = arith.constant 128 : i32
    %mul3A_34 = arith.muli %select_n3A_32, %mul3A_33 : i32
    "tpu.region"() ({
      %run_scoped3A = tpu.sem_alloc : memref<!tpu.dma_semaphore, #tpu.memory_space<semaphore_mem>>
      %dma_start3A_73 = tpu.memref_slice %arg3[%select_n3A, %mul3A_34] : memref<1x4096xi32, #tpu.memory_space<hbm>> -> memref<1x128xi32, #tpu.memory_space<hbm>>
      %dma_start3A_74 = tpu.memref_squeeze %dma_start3A_73 : memref<1x128xi32, #tpu.memory_space<hbm>> -> memref<128xi32, #tpu.memory_space<hbm>>
      %dma_start3A_75 = tpu.memref_slice %arg3[%select_n3A, %mul3A_34] : memref<1x4096xi32, #tpu.memory_space<hbm>> -> memref<1x128xi32, #tpu.memory_space<hbm>>
      %dma_start3A_76 = tpu.memref_squeeze %dma_start3A_75 : memref<1x128xi32, #tpu.memory_space<hbm>> -> memref<128xi32, #tpu.memory_space<hbm>>
      tpu.enqueue_dma source(%dma_start3A_76 : memref<128xi32, #tpu.memory_space<hbm>>) target(%arg5 : memref<128xi32, #tpu.memory_space<vmem>>) target_semaphore(%run_scoped3A : memref<!tpu.dma_semaphore, #tpu.memory_space<semaphore_mem>>)
      %dma_wait3A_77 = tpu.memref_slice %arg3[%select_n3A, %mul3A_34] : memref<1x4096xi32, #tpu.memory_space<hbm>> -> memref<1x128xi32, #tpu.memory_space<hbm>>
      %dma_wait3A_78 = tpu.memref_squeeze %dma_wait3A_77 : memref<1x128xi32, #tpu.memory_space<hbm>> -> memref<128xi32, #tpu.memory_space<hbm>>
      %dma_wait3A_79 = tpu.memref_slice %arg3[%select_n3A, %mul3A_34] : memref<1x4096xi32, #tpu.memory_space<hbm>> -> memref<1x128xi32, #tpu.memory_space<hbm>>
      %dma_wait3A_80 = tpu.memref_squeeze %dma_wait3A_79 : memref<1x128xi32, #tpu.memory_space<hbm>> -> memref<128xi32, #tpu.memory_space<hbm>>
      tpu.wait_dma2 semaphore(%run_scoped3A : memref<!tpu.dma_semaphore, #tpu.memory_space<semaphore_mem>>) src(%dma_wait3A_80 : memref<128xi32, #tpu.memory_space<hbm>>) dst(%arg5 : memref<128xi32, #tpu.memory_space<vmem>>)
      tpu.yield
    }) : () -> ()
    %dma_start3A = arith.constant 0 : i32
    %dma_start3A_35 = tpu.memref_slice %arg5[%dma_start3A] : memref<128xi32, #tpu.memory_space<vmem>> -> memref<64xi32, #tpu.memory_space<vmem>>
    %dma_start3A_36 = arith.constant 0 : i32
    %dma_start3A_37 = arith.constant 0 : i32
    %dma_start3A_38 = tpu.memref_slice %arg2[%dma_start3A_36, %dma_start3A_37] : memref<100000x512xf32, #tpu.memory_space<hbm>> -> memref<100000x512xf32, #tpu.memory_space<hbm>>
    tpu.enqueue_indirect_dma source(%dma_start3A_38 : memref<100000x512xf32, #tpu.memory_space<hbm>>) target(%arg6 : memref<64x512xf32, #tpu.memory_space<vmem>>) offsets(%dma_start3A_35 : memref<64xi32, #tpu.memory_space<vmem>>) semaphore(%arg9 : memref<!tpu.dma_semaphore, #tpu.memory_space<semaphore_mem>>)
    %dma_start3A_39 = arith.constant 64 : i32
    %dma_start3A_40 = tpu.memref_slice %arg5[%dma_start3A_39] : memref<128xi32, #tpu.memory_space<vmem>> -> memref<64xi32, #tpu.memory_space<vmem>>
    %dma_start3A_41 = arith.constant 0 : i32
    %dma_start3A_42 = arith.constant 0 : i32
    %dma_start3A_43 = tpu.memref_slice %arg2[%dma_start3A_41, %dma_start3A_42] : memref<100000x512xf32, #tpu.memory_space<hbm>> -> memref<100000x512xf32, #tpu.memory_space<hbm>>
    tpu.enqueue_indirect_dma source(%dma_start3A_43 : memref<100000x512xf32, #tpu.memory_space<hbm>>) target(%arg7 : memref<64x512xf32, #tpu.memory_space<vmem>>) offsets(%dma_start3A_40 : memref<64xi32, #tpu.memory_space<vmem>>) semaphore(%arg10 : memref<!tpu.dma_semaphore, #tpu.memory_space<semaphore_mem>>)
    %dma_wait3A = arith.constant 0 : i32
    %dma_wait3A_44 = tpu.memref_slice %arg5[%dma_wait3A] : memref<128xi32, #tpu.memory_space<vmem>> -> memref<64xi32, #tpu.memory_space<vmem>>
    %dma_wait3A_45 = arith.constant 0 : i32
    %dma_wait3A_46 = arith.constant 0 : i32
    %dma_wait3A_47 = tpu.memref_slice %arg2[%dma_wait3A_45, %dma_wait3A_46] : memref<100000x512xf32, #tpu.memory_space<hbm>> -> memref<100000x512xf32, #tpu.memory_space<hbm>>
    tpu.wait_indirect_dma semaphore(%arg9 : memref<!tpu.dma_semaphore, #tpu.memory_space<semaphore_mem>>) src(%dma_wait3A_47 : memref<100000x512xf32, #tpu.memory_space<hbm>>) dst(%arg6 : memref<64x512xf32, #tpu.memory_space<vmem>>)
    %add3A_48 = arith.constant 0 : i32
    %add3A_49 = arith.addi %mul3A_2, %add3A_48 : i32
    %dma_start3A_50 = arith.constant 0 : i32
    %dma_start3A_51 = tpu.memref_slice %arg4[%add3A_49, %dma_start3A_50] : memref<4096x512xf32, #tpu.memory_space<hbm>> -> memref<64x512xf32, #tpu.memory_space<hbm>>
    %dma_start3A_52 = arith.constant 0 : i32
    %dma_start3A_53 = tpu.memref_slice %arg4[%add3A_49, %dma_start3A_52] : memref<4096x512xf32, #tpu.memory_space<hbm>> -> memref<64x512xf32, #tpu.memory_space<hbm>>
    tpu.enqueue_dma source(%arg6 : memref<64x512xf32, #tpu.memory_space<vmem>>) target(%dma_start3A_53 : memref<64x512xf32, #tpu.memory_space<hbm>>) target_semaphore(%arg12 : memref<!tpu.dma_semaphore, #tpu.memory_space<semaphore_mem>>)
    %dma_wait3A_54 = arith.constant 64 : i32
    %dma_wait3A_55 = tpu.memref_slice %arg5[%dma_wait3A_54] : memref<128xi32, #tpu.memory_space<vmem>> -> memref<64xi32, #tpu.memory_space<vmem>>
    %dma_wait3A_56 = arith.constant 0 : i32
    %dma_wait3A_57 = arith.constant 0 : i32
    %dma_wait3A_58 = tpu.memref_slice %arg2[%dma_wait3A_56, %dma_wait3A_57] : memref<100000x512xf32, #tpu.memory_space<hbm>> -> memref<100000x512xf32, #tpu.memory_space<hbm>>
    tpu.wait_indirect_dma semaphore(%arg10 : memref<!tpu.dma_semaphore, #tpu.memory_space<semaphore_mem>>) src(%dma_wait3A_58 : memref<100000x512xf32, #tpu.memory_space<hbm>>) dst(%arg7 : memref<64x512xf32, #tpu.memory_space<vmem>>)
    %add3A_59 = arith.constant 64 : i32
    %add3A_60 = arith.addi %mul3A_2, %add3A_59 : i32
    %dma_start3A_61 = arith.constant 0 : i32
    %dma_start3A_62 = tpu.memref_slice %arg4[%add3A_60, %dma_start3A_61] : memref<4096x512xf32, #tpu.memory_space<hbm>> -> memref<64x512xf32, #tpu.memory_space<hbm>>
    %dma_start3A_63 = arith.constant 0 : i32
    %dma_start3A_64 = tpu.memref_slice %arg4[%add3A_60, %dma_start3A_63] : memref<4096x512xf32, #tpu.memory_space<hbm>> -> memref<64x512xf32, #tpu.memory_space<hbm>>
    tpu.enqueue_dma source(%arg7 : memref<64x512xf32, #tpu.memory_space<vmem>>) target(%dma_start3A_64 : memref<64x512xf32, #tpu.memory_space<hbm>>) target_semaphore(%arg13 : memref<!tpu.dma_semaphore, #tpu.memory_space<semaphore_mem>>)
    %dma_wait3A_65 = arith.constant 0 : i32
    %dma_wait3A_66 = tpu.memref_slice %arg4[%add3A_49, %dma_wait3A_65] : memref<4096x512xf32, #tpu.memory_space<hbm>> -> memref<64x512xf32, #tpu.memory_space<hbm>>
    %dma_wait3A_67 = arith.constant 0 : i32
    %dma_wait3A_68 = tpu.memref_slice %arg4[%add3A_49, %dma_wait3A_67] : memref<4096x512xf32, #tpu.memory_space<hbm>> -> memref<64x512xf32, #tpu.memory_space<hbm>>
    tpu.wait_dma2 semaphore(%arg12 : memref<!tpu.dma_semaphore, #tpu.memory_space<semaphore_mem>>) src(%arg6 : memref<64x512xf32, #tpu.memory_space<vmem>>) dst(%dma_wait3A_68 : memref<64x512xf32, #tpu.memory_space<hbm>>)
    %dma_wait3A_69 = arith.constant 0 : i32
    %dma_wait3A_70 = tpu.memref_slice %arg4[%add3A_60, %dma_wait3A_69] : memref<4096x512xf32, #tpu.memory_space<hbm>> -> memref<64x512xf32, #tpu.memory_space<hbm>>
    %dma_wait3A_71 = arith.constant 0 : i32
    %dma_wait3A_72 = tpu.memref_slice %arg4[%add3A_60, %dma_wait3A_71] : memref<4096x512xf32, #tpu.memory_space<hbm>> -> memref<64x512xf32, #tpu.memory_space<hbm>>
    tpu.wait_dma2 semaphore(%arg13 : memref<!tpu.dma_semaphore, #tpu.memory_space<semaphore_mem>>) src(%arg7 : memref<64x512xf32, #tpu.memory_space<vmem>>) dst(%dma_wait3A_72 : memref<64x512xf32, #tpu.memory_space<hbm>>)
    return
  }
}

module attributes {stable_mosaic.version = 14 : i64} {
  func.func @_tc_scale_chunk_kernel(%arg0: i32, %arg1: memref<2x4096x4x128xf32, #tpu.memory_space<any>>, %arg2: memref<2048x512xf32, #tpu.memory_space<vmem>>, %arg3: memref<2048x4xf32, #tpu.memory_space<vmem>>, %arg4: memref<1x2048x4x128xf32, #tpu.memory_space<vmem>>) attributes {dimension_semantics = [#tpu.dimension_semantics<arbitrary>], iteration_bounds = array<i64: 2>, scalar_prefetch = 0 : i64, scratch_operands = 0 : i64, tpu.core_type = #tpu.core_type<tc>, window_params = [{}, {transform_indices = @transform_1, window_bounds = array<i64: 2048, 512>}, {transform_indices = @transform_2, window_bounds = array<i64: 2048, 4>}, {transform_indices = @transform_3, window_bounds = array<i64: 1, 2048, 4, 128>}]} {
    %get3A = arith.constant 0 : index
    %get3A_0 = arith.constant 0 : index
    %get3A_1 = vector.load %arg3[%get3A, %get3A_0] : memref<2048x4xf32, #tpu.memory_space<vmem>>, vector<2048x4xf32>
    %get3A_2 = arith.constant 0 : index
    %get3A_3 = arith.constant 0 : index
    %get3A_4 = vector.load %arg2[%get3A_2, %get3A_3] : memref<2048x512xf32, #tpu.memory_space<vmem>>, vector<2048x128xf32>
    %slice3A = vector.extract_strided_slice %get3A_1 {offsets = [0, 0], sizes = [2048, 1], strides = [1, 1]} : vector<2048x4xf32> to vector<2048x1xf32>
    %squeeze3A = vector.shape_cast %slice3A : vector<2048x1xf32> to vector<2048xf32>
    %broadcast_in_dim3A = vector.shape_cast %squeeze3A : vector<2048xf32> to vector<2048x1xf32>
    %mul3A = vector.broadcast %broadcast_in_dim3A : vector<2048x1xf32> to vector<2048x128xf32>
    %mul3A_5 = arith.mulf %get3A_4, %mul3A : vector<2048x128xf32>
    %swap3A = arith.constant 0 : index
    %swap3A_6 = arith.constant 0 : index
    %swap3A_7 = arith.constant 0 : index
    %swap3A_8 = arith.constant 0 : index
    %swap3A_9 = vector.load %arg4[%swap3A, %swap3A_6, %swap3A_7, %swap3A_8] : memref<1x2048x4x128xf32, #tpu.memory_space<vmem>>, vector<1x2048x1x128xf32>
    %swap3A_10 = vector.shape_cast %swap3A_9 : vector<1x2048x1x128xf32> to vector<2048x128xf32>
    %swap3A_11 = vector.shape_cast %mul3A_5 : vector<2048x128xf32> to vector<1x2048x1x128xf32>
    tpu.vector_store %arg4[%swap3A, %swap3A_6, %swap3A_7, %swap3A_8], %swap3A_11 {strides = array<i32>} : memref<1x2048x4x128xf32, #tpu.memory_space<vmem>>, vector<1x2048x1x128xf32>,
    %get3A_12 = arith.constant 0 : index
    %get3A_13 = arith.constant 128 : index
    %get3A_14 = vector.load %arg2[%get3A_12, %get3A_13] : memref<2048x512xf32, #tpu.memory_space<vmem>>, vector<2048x128xf32>
    %slice3A_15 = vector.extract_strided_slice %get3A_1 {offsets = [0, 1], sizes = [2048, 1], strides = [1, 1]} : vector<2048x4xf32> to vector<2048x1xf32>
    %squeeze3A_16 = vector.shape_cast %slice3A_15 : vector<2048x1xf32> to vector<2048xf32>
    %broadcast_in_dim3A_17 = vector.shape_cast %squeeze3A_16 : vector<2048xf32> to vector<2048x1xf32>
    %mul3A_18 = vector.broadcast %broadcast_in_dim3A_17 : vector<2048x1xf32> to vector<2048x128xf32>
    %mul3A_19 = arith.mulf %get3A_14, %mul3A_18 : vector<2048x128xf32>
    %swap3A_20 = arith.constant 0 : index
    %swap3A_21 = arith.constant 0 : index
    %swap3A_22 = arith.constant 1 : index
    %swap3A_23 = arith.constant 0 : index
    %swap3A_24 = vector.load %arg4[%swap3A_20, %swap3A_21, %swap3A_22, %swap3A_23] : memref<1x2048x4x128xf32, #tpu.memory_space<vmem>>, vector<1x2048x1x128xf32>
    %swap3A_25 = vector.shape_cast %swap3A_24 : vector<1x2048x1x128xf32> to vector<2048x128xf32>
    %swap3A_26 = vector.shape_cast %mul3A_19 : vector<2048x128xf32> to vector<1x2048x1x128xf32>
    tpu.vector_store %arg4[%swap3A_20, %swap3A_21, %swap3A_22, %swap3A_23], %swap3A_26 {strides = array<i32>} : memref<1x2048x4x128xf32, #tpu.memory_space<vmem>>, vector<1x2048x1x128xf32>,
    %get3A_27 = arith.constant 0 : index
    %get3A_28 = arith.constant 256 : index
    %get3A_29 = vector.load %arg2[%get3A_27, %get3A_28] : memref<2048x512xf32, #tpu.memory_space<vmem>>, vector<2048x128xf32>
    %slice3A_30 = vector.extract_strided_slice %get3A_1 {offsets = [0, 2], sizes = [2048, 1], strides = [1, 1]} : vector<2048x4xf32> to vector<2048x1xf32>
    %squeeze3A_31 = vector.shape_cast %slice3A_30 : vector<2048x1xf32> to vector<2048xf32>
    %broadcast_in_dim3A_32 = vector.shape_cast %squeeze3A_31 : vector<2048xf32> to vector<2048x1xf32>
    %mul3A_33 = vector.broadcast %broadcast_in_dim3A_32 : vector<2048x1xf32> to vector<2048x128xf32>
    %mul3A_34 = arith.mulf %get3A_29, %mul3A_33 : vector<2048x128xf32>
    %swap3A_35 = arith.constant 0 : index
    %swap3A_36 = arith.constant 0 : index
    %swap3A_37 = arith.constant 2 : index
    %swap3A_38 = arith.constant 0 : index
    %swap3A_39 = vector.load %arg4[%swap3A_35, %swap3A_36, %swap3A_37, %swap3A_38] : memref<1x2048x4x128xf32, #tpu.memory_space<vmem>>, vector<1x2048x1x128xf32>
    %swap3A_40 = vector.shape_cast %swap3A_39 : vector<1x2048x1x128xf32> to vector<2048x128xf32>
    %swap3A_41 = vector.shape_cast %mul3A_34 : vector<2048x128xf32> to vector<1x2048x1x128xf32>
    tpu.vector_store %arg4[%swap3A_35, %swap3A_36, %swap3A_37, %swap3A_38], %swap3A_41 {strides = array<i32>} : memref<1x2048x4x128xf32, #tpu.memory_space<vmem>>, vector<1x2048x1x128xf32>,
    %get3A_42 = arith.constant 0 : index
    %get3A_43 = arith.constant 384 : index
    %get3A_44 = vector.load %arg2[%get3A_42, %get3A_43] : memref<2048x512xf32, #tpu.memory_space<vmem>>, vector<2048x128xf32>
    %slice3A_45 = vector.extract_strided_slice %get3A_1 {offsets = [0, 3], sizes = [2048, 1], strides = [1, 1]} : vector<2048x4xf32> to vector<2048x1xf32>
    %squeeze3A_46 = vector.shape_cast %slice3A_45 : vector<2048x1xf32> to vector<2048xf32>
    %broadcast_in_dim3A_47 = vector.shape_cast %squeeze3A_46 : vector<2048xf32> to vector<2048x1xf32>
    %mul3A_48 = vector.broadcast %broadcast_in_dim3A_47 : vector<2048x1xf32> to vector<2048x128xf32>
    %mul3A_49 = arith.mulf %get3A_44, %mul3A_48 : vector<2048x128xf32>
    %swap3A_50 = arith.constant 0 : index
    %swap3A_51 = arith.constant 0 : index
    %swap3A_52 = arith.constant 3 : index
    %swap3A_53 = arith.constant 0 : index
    %swap3A_54 = vector.load %arg4[%swap3A_50, %swap3A_51, %swap3A_52, %swap3A_53] : memref<1x2048x4x128xf32, #tpu.memory_space<vmem>>, vector<1x2048x1x128xf32>
    %swap3A_55 = vector.shape_cast %swap3A_54 : vector<1x2048x1x128xf32> to vector<2048x128xf32>
    %swap3A_56 = vector.shape_cast %mul3A_49 : vector<2048x128xf32> to vector<1x2048x1x128xf32>
    tpu.vector_store %arg4[%swap3A_50, %swap3A_51, %swap3A_52, %swap3A_53], %swap3A_56 {strides = array<i32>} : memref<1x2048x4x128xf32, #tpu.memory_space<vmem>>, vector<1x2048x1x128xf32>,
    return
  }
  func.func @transform_1(%arg0: i32) -> (i32, i32) {
    %c0_i32 = arith.constant 0 : i32
    %c0_i32_0 = arith.constant 0 : i32
    return %arg0, %c0_i32 : i32, i32
  }
  func.func @transform_2(%arg0: i32) -> (i32, i32) {
    %add3A = arith.constant 2 : i32
    %add3A_0 = arith.addi %add3A, %arg0 : i32
    %c0_i32 = arith.constant 0 : i32
    %c0_i32_1 = arith.constant 0 : i32
    return %add3A_0, %c0_i32 : i32, i32
  }
  func.func @transform_3(%arg0: i32) -> (i32, i32, i32, i32) {
    %add3A = arith.constant 2 : i32
    %add3A_0 = arith.addi %add3A, %arg0 : i32
    %jit3A = arith.constant 2 : i32
    %div3A = arith.divsi %add3A_0, %jit3A : i32
    %sign3A = arith.constant 0 : i32
    %sign3A_1 = arith.cmpi sgt, %add3A_0, %sign3A : i32
    %sign3A_2 = arith.extui %sign3A_1 : i1 to i32
    %sign3A_3 = arith.constant 0 : i32
    %sign3A_4 = arith.cmpi slt, %add3A_0, %sign3A_3 : i32
    %sign3A_5 = arith.extui %sign3A_4 : i1 to i32
    %sign3A_6 = arith.subi %sign3A_2, %sign3A_5 : i32
    %sign3A_7 = arith.constant 0 : i32
    %sign3A_8 = arith.cmpi sgt, %jit3A, %sign3A_7 : i32
    %sign3A_9 = arith.extui %sign3A_8 : i1 to i32
    %sign3A_10 = arith.constant 0 : i32
    %sign3A_11 = arith.cmpi slt, %jit3A, %sign3A_10 : i32
    %sign3A_12 = arith.extui %sign3A_11 : i1 to i32
    %sign3A_13 = arith.subi %sign3A_9, %sign3A_12 : i32
    %ne3A = arith.cmpi ne, %sign3A_6, %sign3A_13 : i32
    %rem3A = arith.remsi %add3A_0, %jit3A : i32
    %ne3A_14 = arith.constant 0 : i32
    %ne3A_15 = arith.cmpi ne, %rem3A, %ne3A_14 : i32
    %and3A = arith.andi %ne3A, %ne3A_15 : i1
    %sub3A = arith.constant 1 : i32
    %sub3A_16 = arith.subi %div3A, %sub3A : i32
    %select_n3A = arith.select %and3A, %sub3A_16, %div3A : i32
    %jit3A_17 = arith.constant 2 : i32
    %eq3A = arith.constant 0 : i32
    %eq3A_18 = arith.cmpi eq, %jit3A_17, %eq3A : i32
    %jit3A_19 = arith.constant 1 : i32
    %select_n3A_20 = arith.select %eq3A_18, %jit3A_19, %jit3A_17 : i32
    %rem3A_21 = arith.remsi %add3A_0, %select_n3A_20 : i32
    %ne3A_22 = arith.constant 0 : i32
    %ne3A_23 = arith.cmpi ne, %rem3A_21, %ne3A_22 : i32
    %lt3A = arith.constant 0 : i32
    %lt3A_24 = arith.cmpi slt, %rem3A_21, %lt3A : i32
    %lt3A_25 = arith.constant 0 : i32
    %lt3A_26 = arith.cmpi slt, %select_n3A_20, %lt3A_25 : i32
    %ne3A_27 = arith.xori %lt3A_24, %lt3A_26 : i1
    %and3A_28 = arith.andi %ne3A_27, %ne3A_23 : i1
    %add3A_29 = arith.addi %rem3A_21, %select_n3A_20 : i32
    %select_n3A_30 = arith.select %and3A_28, %add3A_29, %rem3A_21 : i32
    %c0_i32 = arith.constant 0 : i32
    %c0_i32_31 = arith.constant 0 : i32
    %c0_i32_32 = arith.constant 0 : i32
    return %select_n3A, %select_n3A_30, %c0_i32, %c0_i32_31 : i32, i32, i32, i32
  }
}

module attributes {stable_mosaic.version = 14 : i64} {
  func.func @_tc_gate_kernel(%arg0: i32, %arg1: i32, %arg2: memref<1x1024x128xf32, #tpu.memory_space<vmem>>, %arg3: memref<128x128xf32, #tpu.memory_space<vmem>>, %arg4: memref<1x4xf32, #tpu.memory_space<vmem>>, %arg5: memref<1024x4xf32, #tpu.memory_space<vmem>>) attributes {dimension_semantics = [#tpu.dimension_semantics<arbitrary>, #tpu.dimension_semantics<arbitrary>], iteration_bounds = array<i64: 2, 4>, scalar_prefetch = 0 : i64, scratch_operands = 0 : i64, tpu.core_type = #tpu.core_type<tc>, window_params = [{transform_indices = @transform_0, window_bounds = array<i64: 1, 1024, 128>}, {pipeline_mode = #tpu.pipeline_mode<synchronous>, transform_indices = @transform_1, window_bounds = array<i64: 128, 128>}, {pipeline_mode = #tpu.pipeline_mode<synchronous>, transform_indices = @transform_2, window_bounds = array<i64: 1, 4>}, {transform_indices = @transform_3, window_bounds = array<i64: 1024, 4>}]} {
    %get3A = arith.constant 0 : index
    %get3A_0 = arith.constant 0 : index
    %get3A_1 = arith.constant 0 : index
    %get3A_2 = vector.load %arg2[%get3A, %get3A_0, %get3A_1] : memref<1x1024x128xf32, #tpu.memory_space<vmem>>, vector<1x1024x128xf32>
    %get3A_3 = vector.shape_cast %get3A_2 : vector<1x1024x128xf32> to vector<1024x128xf32>
    %get3A_4 = arith.constant 0 : index
    %get3A_5 = arith.constant 0 : index
    %get3A_6 = vector.load %arg3[%get3A_4, %get3A_5] : memref<128x128xf32, #tpu.memory_space<vmem>>, vector<128x128xf32>
    %dot_general3A = arith.constant dense<0.000000e+00> : vector<1024x128xf32>
    %dot_general3A_7 = tpu.matmul %get3A_3, %get3A_6, %dot_general3A {dimension_numbers = #tpu.dot_dimension_numbers<[1], [0], [0], [1], [0, 0, 1, 1], [], []>, transpose_lhs_hint = false} : vector<1024x128xf32>, vector<128x128xf32>, vector<1024x128xf32> -> vector<1024x128xf32>
    %slice3A = vector.extract_strided_slice %dot_general3A_7 {offsets = [0, 0], sizes = [1024, 4], strides = [1, 1]} : vector<1024x128xf32> to vector<1024x4xf32>
    %get3A_8 = arith.constant 0 : index
    %get3A_9 = arith.constant 0 : index
    %get3A_10 = vector.load %arg4[%get3A_8, %get3A_9] : memref<1x4xf32, #tpu.memory_space<vmem>>, vector<1x4xf32>
    %add3A = vector.broadcast %get3A_10 : vector<1x4xf32> to vector<1024x4xf32>
    %add3A_11 = arith.addf %slice3A, %add3A : vector<1024x4xf32>
    %logistic3A = arith.negf %add3A_11 : vector<1024x4xf32>
    %logistic3A_12 = math.exp %logistic3A : vector<1024x4xf32>
    %logistic3A_13 = arith.constant 1.000000e+00 : f32
    %logistic3A_14 = vector.broadcast %logistic3A_13 : f32 to vector<1024x4xf32>
    %logistic3A_15 = arith.addf %logistic3A_14, %logistic3A_12 : vector<1024x4xf32>
    %logistic3A_16 = arith.divf %logistic3A_14, %logistic3A_15 : vector<1024x4xf32>
    %mul3A = arith.constant 2.000000e+00 : f32
    %mul3A_17 = vector.broadcast %mul3A : f32 to vector<1024x4xf32>
    %mul3A_18 = arith.mulf %mul3A_17, %logistic3A_16 : vector<1024x4xf32>
    %swap3A = arith.constant 0 : index
    %swap3A_19 = arith.constant 0 : index
    %swap3A_20 = vector.load %arg5[%swap3A, %swap3A_19] : memref<1024x4xf32, #tpu.memory_space<vmem>>, vector<1024x4xf32>
    tpu.vector_store %arg5[%swap3A, %swap3A_19], %mul3A_18 {strides = array<i32>} : memref<1024x4xf32, #tpu.memory_space<vmem>>, vector<1024x4xf32>,
    return
  }
  func.func @transform_0(%arg0: i32, %arg1: i32) -> (i32, i32, i32) {
    %c0_i32 = arith.constant 0 : i32
    %c0_i32_0 = arith.constant 0 : i32
    return %arg0, %arg1, %c0_i32 : i32, i32, i32
  }
  func.func @transform_1(%arg0: i32, %arg1: i32) -> (i32, i32) {
    %c0_i32 = arith.constant 0 : i32
    %c0_i32_0 = arith.constant 0 : i32
    %c0_i32_1 = arith.constant 0 : i32
    return %c0_i32, %c0_i32_0 : i32, i32
  }
  func.func @transform_2(%arg0: i32, %arg1: i32) -> (i32, i32) {
    %c0_i32 = arith.constant 0 : i32
    %c0_i32_0 = arith.constant 0 : i32
    %c0_i32_1 = arith.constant 0 : i32
    return %c0_i32, %c0_i32_0 : i32, i32
  }
  func.func @transform_3(%arg0: i32, %arg1: i32) -> (i32, i32) {
    %mul3A = arith.constant 4 : i32
    %mul3A_0 = arith.muli %arg0, %mul3A : i32
    %add3A = arith.addi %mul3A_0, %arg1 : i32
    %c0_i32 = arith.constant 0 : i32
    %c0_i32_1 = arith.constant 0 : i32
    return %add3A, %c0_i32 : i32, i32
  }
}

module attributes {stable_mosaic.version = 14 : i64} {
  func.func @_tc_scale_kernel(%arg0: i32, %arg1: memref<2048x512xf32, #tpu.memory_space<vmem>>, %arg2: memref<2048x4xf32, #tpu.memory_space<vmem>>, %arg3: memref<1x2048x4x128xf32, #tpu.memory_space<vmem>>) attributes {dimension_semantics = [#tpu.dimension_semantics<arbitrary>], iteration_bounds = array<i64: 2>, scalar_prefetch = 0 : i64, scratch_operands = 0 : i64, tpu.core_type = #tpu.core_type<tc>, window_params = [{transform_indices = @transform_0, window_bounds = array<i64: 2048, 512>}, {transform_indices = @transform_1, window_bounds = array<i64: 2048, 4>}, {transform_indices = @transform_2, window_bounds = array<i64: 1, 2048, 4, 128>}]} {
    %get3A = arith.constant 0 : index
    %get3A_0 = arith.constant 0 : index
    %get3A_1 = vector.load %arg2[%get3A, %get3A_0] : memref<2048x4xf32, #tpu.memory_space<vmem>>, vector<2048x4xf32>
    %get3A_2 = arith.constant 0 : index
    %get3A_3 = arith.constant 0 : index
    %get3A_4 = vector.load %arg1[%get3A_2, %get3A_3] : memref<2048x512xf32, #tpu.memory_space<vmem>>, vector<2048x128xf32>
    %slice3A = vector.extract_strided_slice %get3A_1 {offsets = [0, 0], sizes = [2048, 1], strides = [1, 1]} : vector<2048x4xf32> to vector<2048x1xf32>
    %squeeze3A = vector.shape_cast %slice3A : vector<2048x1xf32> to vector<2048xf32>
    %broadcast_in_dim3A = vector.shape_cast %squeeze3A : vector<2048xf32> to vector<2048x1xf32>
    %mul3A = vector.broadcast %broadcast_in_dim3A : vector<2048x1xf32> to vector<2048x128xf32>
    %mul3A_5 = arith.mulf %get3A_4, %mul3A : vector<2048x128xf32>
    %swap3A = arith.constant 0 : index
    %swap3A_6 = arith.constant 0 : index
    %swap3A_7 = arith.constant 0 : index
    %swap3A_8 = arith.constant 0 : index
    %swap3A_9 = vector.load %arg3[%swap3A, %swap3A_6, %swap3A_7, %swap3A_8] : memref<1x2048x4x128xf32, #tpu.memory_space<vmem>>, vector<1x2048x1x128xf32>
    %swap3A_10 = vector.shape_cast %swap3A_9 : vector<1x2048x1x128xf32> to vector<2048x128xf32>
    %swap3A_11 = vector.shape_cast %mul3A_5 : vector<2048x128xf32> to vector<1x2048x1x128xf32>
    tpu.vector_store %arg3[%swap3A, %swap3A_6, %swap3A_7, %swap3A_8], %swap3A_11 {strides = array<i32>} : memref<1x2048x4x128xf32, #tpu.memory_space<vmem>>, vector<1x2048x1x128xf32>,
    %get3A_12 = arith.constant 0 : index
    %get3A_13 = arith.constant 128 : index
    %get3A_14 = vector.load %arg1[%get3A_12, %get3A_13] : memref<2048x512xf32, #tpu.memory_space<vmem>>, vector<2048x128xf32>
    %slice3A_15 = vector.extract_strided_slice %get3A_1 {offsets = [0, 1], sizes = [2048, 1], strides = [1, 1]} : vector<2048x4xf32> to vector<2048x1xf32>
    %squeeze3A_16 = vector.shape_cast %slice3A_15 : vector<2048x1xf32> to vector<2048xf32>
    %broadcast_in_dim3A_17 = vector.shape_cast %squeeze3A_16 : vector<2048xf32> to vector<2048x1xf32>
    %mul3A_18 = vector.broadcast %broadcast_in_dim3A_17 : vector<2048x1xf32> to vector<2048x128xf32>
    %mul3A_19 = arith.mulf %get3A_14, %mul3A_18 : vector<2048x128xf32>
    %swap3A_20 = arith.constant 0 : index
    %swap3A_21 = arith.constant 0 : index
    %swap3A_22 = arith.constant 1 : index
    %swap3A_23 = arith.constant 0 : index
    %swap3A_24 = vector.load %arg3[%swap3A_20, %swap3A_21, %swap3A_22, %swap3A_23] : memref<1x2048x4x128xf32, #tpu.memory_space<vmem>>, vector<1x2048x1x128xf32>
    %swap3A_25 = vector.shape_cast %swap3A_24 : vector<1x2048x1x128xf32> to vector<2048x128xf32>
    %swap3A_26 = vector.shape_cast %mul3A_19 : vector<2048x128xf32> to vector<1x2048x1x128xf32>
    tpu.vector_store %arg3[%swap3A_20, %swap3A_21, %swap3A_22, %swap3A_23], %swap3A_26 {strides = array<i32>} : memref<1x2048x4x128xf32, #tpu.memory_space<vmem>>, vector<1x2048x1x128xf32>,
    %get3A_27 = arith.constant 0 : index
    %get3A_28 = arith.constant 256 : index
    %get3A_29 = vector.load %arg1[%get3A_27, %get3A_28] : memref<2048x512xf32, #tpu.memory_space<vmem>>, vector<2048x128xf32>
    %slice3A_30 = vector.extract_strided_slice %get3A_1 {offsets = [0, 2], sizes = [2048, 1], strides = [1, 1]} : vector<2048x4xf32> to vector<2048x1xf32>
    %squeeze3A_31 = vector.shape_cast %slice3A_30 : vector<2048x1xf32> to vector<2048xf32>
    %broadcast_in_dim3A_32 = vector.shape_cast %squeeze3A_31 : vector<2048xf32> to vector<2048x1xf32>
    %mul3A_33 = vector.broadcast %broadcast_in_dim3A_32 : vector<2048x1xf32> to vector<2048x128xf32>
    %mul3A_34 = arith.mulf %get3A_29, %mul3A_33 : vector<2048x128xf32>
    %swap3A_35 = arith.constant 0 : index
    %swap3A_36 = arith.constant 0 : index
    %swap3A_37 = arith.constant 2 : index
    %swap3A_38 = arith.constant 0 : index
    %swap3A_39 = vector.load %arg3[%swap3A_35, %swap3A_36, %swap3A_37, %swap3A_38] : memref<1x2048x4x128xf32, #tpu.memory_space<vmem>>, vector<1x2048x1x128xf32>
    %swap3A_40 = vector.shape_cast %swap3A_39 : vector<1x2048x1x128xf32> to vector<2048x128xf32>
    %swap3A_41 = vector.shape_cast %mul3A_34 : vector<2048x128xf32> to vector<1x2048x1x128xf32>
    tpu.vector_store %arg3[%swap3A_35, %swap3A_36, %swap3A_37, %swap3A_38], %swap3A_41 {strides = array<i32>} : memref<1x2048x4x128xf32, #tpu.memory_space<vmem>>, vector<1x2048x1x128xf32>,
    %get3A_42 = arith.constant 0 : index
    %get3A_43 = arith.constant 384 : index
    %get3A_44 = vector.load %arg1[%get3A_42, %get3A_43] : memref<2048x512xf32, #tpu.memory_space<vmem>>, vector<2048x128xf32>
    %slice3A_45 = vector.extract_strided_slice %get3A_1 {offsets = [0, 3], sizes = [2048, 1], strides = [1, 1]} : vector<2048x4xf32> to vector<2048x1xf32>
    %squeeze3A_46 = vector.shape_cast %slice3A_45 : vector<2048x1xf32> to vector<2048xf32>
    %broadcast_in_dim3A_47 = vector.shape_cast %squeeze3A_46 : vector<2048xf32> to vector<2048x1xf32>
    %mul3A_48 = vector.broadcast %broadcast_in_dim3A_47 : vector<2048x1xf32> to vector<2048x128xf32>
    %mul3A_49 = arith.mulf %get3A_44, %mul3A_48 : vector<2048x128xf32>
    %swap3A_50 = arith.constant 0 : index
    %swap3A_51 = arith.constant 0 : index
    %swap3A_52 = arith.constant 3 : index
    %swap3A_53 = arith.constant 0 : index
    %swap3A_54 = vector.load %arg3[%swap3A_50, %swap3A_51, %swap3A_52, %swap3A_53] : memref<1x2048x4x128xf32, #tpu.memory_space<vmem>>, vector<1x2048x1x128xf32>
    %swap3A_55 = vector.shape_cast %swap3A_54 : vector<1x2048x1x128xf32> to vector<2048x128xf32>
    %swap3A_56 = vector.shape_cast %mul3A_49 : vector<2048x128xf32> to vector<1x2048x1x128xf32>
    tpu.vector_store %arg3[%swap3A_50, %swap3A_51, %swap3A_52, %swap3A_53], %swap3A_56 {strides = array<i32>} : memref<1x2048x4x128xf32, #tpu.memory_space<vmem>>, vector<1x2048x1x128xf32>,
    return
  }
  func.func @transform_0(%arg0: i32) -> (i32, i32) {
    %c0_i32 = arith.constant 0 : i32
    %c0_i32_0 = arith.constant 0 : i32
    return %arg0, %c0_i32 : i32, i32
  }
  func.func @transform_1(%arg0: i32) -> (i32, i32) {
    %add3A = arith.constant 0 : i32
    %add3A_0 = arith.addi %add3A, %arg0 : i32
    %c0_i32 = arith.constant 0 : i32
    %c0_i32_1 = arith.constant 0 : i32
    return %add3A_0, %c0_i32 : i32, i32
  }
  func.func @transform_2(%arg0: i32) -> (i32, i32, i32, i32) {
    %add3A = arith.constant 0 : i32
    %add3A_0 = arith.addi %add3A, %arg0 : i32
    %jit3A = arith.constant 2 : i32
    %div3A = arith.divsi %add3A_0, %jit3A : i32
    %sign3A = arith.constant 0 : i32
    %sign3A_1 = arith.cmpi sgt, %add3A_0, %sign3A : i32
    %sign3A_2 = arith.extui %sign3A_1 : i1 to i32
    %sign3A_3 = arith.constant 0 : i32
    %sign3A_4 = arith.cmpi slt, %add3A_0, %sign3A_3 : i32
    %sign3A_5 = arith.extui %sign3A_4 : i1 to i32
    %sign3A_6 = arith.subi %sign3A_2, %sign3A_5 : i32
    %sign3A_7 = arith.constant 0 : i32
    %sign3A_8 = arith.cmpi sgt, %jit3A, %sign3A_7 : i32
    %sign3A_9 = arith.extui %sign3A_8 : i1 to i32
    %sign3A_10 = arith.constant 0 : i32
    %sign3A_11 = arith.cmpi slt, %jit3A, %sign3A_10 : i32
    %sign3A_12 = arith.extui %sign3A_11 : i1 to i32
    %sign3A_13 = arith.subi %sign3A_9, %sign3A_12 : i32
    %ne3A = arith.cmpi ne, %sign3A_6, %sign3A_13 : i32
    %rem3A = arith.remsi %add3A_0, %jit3A : i32
    %ne3A_14 = arith.constant 0 : i32
    %ne3A_15 = arith.cmpi ne, %rem3A, %ne3A_14 : i32
    %and3A = arith.andi %ne3A, %ne3A_15 : i1
    %sub3A = arith.constant 1 : i32
    %sub3A_16 = arith.subi %div3A, %sub3A : i32
    %select_n3A = arith.select %and3A, %sub3A_16, %div3A : i32
    %jit3A_17 = arith.constant 2 : i32
    %eq3A = arith.constant 0 : i32
    %eq3A_18 = arith.cmpi eq, %jit3A_17, %eq3A : i32
    %jit3A_19 = arith.constant 1 : i32
    %select_n3A_20 = arith.select %eq3A_18, %jit3A_19, %jit3A_17 : i32
    %rem3A_21 = arith.remsi %add3A_0, %select_n3A_20 : i32
    %ne3A_22 = arith.constant 0 : i32
    %ne3A_23 = arith.cmpi ne, %rem3A_21, %ne3A_22 : i32
    %lt3A = arith.constant 0 : i32
    %lt3A_24 = arith.cmpi slt, %rem3A_21, %lt3A : i32
    %lt3A_25 = arith.constant 0 : i32
    %lt3A_26 = arith.cmpi slt, %select_n3A_20, %lt3A_25 : i32
    %ne3A_27 = arith.xori %lt3A_24, %lt3A_26 : i1
    %and3A_28 = arith.andi %ne3A_27, %ne3A_23 : i1
    %add3A_29 = arith.addi %rem3A_21, %select_n3A_20 : i32
    %select_n3A_30 = arith.select %and3A_28, %add3A_29, %rem3A_21 : i32
    %c0_i32 = arith.constant 0 : i32
    %c0_i32_31 = arith.constant 0 : i32
    %c0_i32_32 = arith.constant 0 : i32
    return %select_n3A, %select_n3A_30, %c0_i32, %c0_i32_31 : i32, i32, i32, i32
  }
}

</mosaic_0001>

<sc_bundles>
// kernel: kernel.10.cloned.1.call-start
scs
__scs_entry_jumppad:
0x0: {  	(pc) =	sbr.rel $0x88, $3  }
0x1: {  	(tag) =	ssettag $0x0;
	lr =	simm.s32 $0x1  }
0x2: {  	[smem:$0x3F9C] =	sst lr;
	_ =	strace $0xD0000000  }
0x3: {  	_ = 	snop  }
0x4: {  	_ = 	snop  }
0x5: {  	_ = 	snop  }
0x6: {  	_ = 	snop  }
0x7: {  	_ = 	snop  }
__scs_overlays_trampoline_lowered:
0x8: {  	[smem:$0x3FAB] =	sst s0  }
0x9: {  	[smem:$0x3FAC] =	sst s1  }
0xa: {  	[smem:$0x3FAD] =	sst s2  }
0xb: {  	[smem:$0x3FAE] =	sst s3  }
0xc: {  	[smem:$0x3FAF] =	sst s4  }
0xd: {  	[smem:$0x3FB0] =	sst s5  }
0xe: {  	[smem:$0x3FB1] =	sst s6  }
0xf: {  	[smem:$0x3FB2] =	sst s7  }
0x10: {  	[smem:$0x3FB3] =	sst s8  }
0x11: {  	[smem:$0x3FB4] =	sst s9;
	s0 =	simm.s32 @!p0 $0x0  }
0x12: {  	s1 =	sld [smem:$0x3F9A];
	s0 =	simm.s32 @p0 $0x1  }
0x13: {  	[smem:$0x3FB5] =	sst s0;
	s0 =	simm.s32 @!p1 $0x0  }
0x14: {  	s2 =	sld [smem:$0x3F99];
	s0 =	simm.s32 @p1 $0x1  }
0x15: {  	[smem:$0x3FB6] =	sst s0;
	s0 =	simm.s32 @!p2 $0x0  }
0x16: {  	s3 =	sld [smem:$0x3FDB];
	s0 =	simm.s32 @p2 $0x1  }
0x17: {  	s4 =	simm.s32 $0x1BF5;
	[smem:$0x3FB8] =	sst s0  }
0x18: {  	s0 =	sld [smem:$0x3F9B];
	_ =	swait.ge [sflag:s4], $0x0  }
0x19: {  	s7 =	sld [smem:$0x3F9C]  }
0x1a: {  	s8 =	sadd.s32 $0xFFFFE003, lr  }
0x1b: {  	s9 =	sadd.s32 $0xFFFFFEF7, lr;
	s5 =	simm.s32 $0xFFFFFFFF;
	p2 =	slt.u32 s8, $0xFFFFF086  }
0x1c: {  	p1 =	slt.u32 s9, $0xF7A;
	s5 =	simm.s32 @!p2 $0x0  }
0x1d: {  	s5 =	simm.s32 @p1 $0x1;
	p0 =	seq.s32 s7, s2  }
0x1e: {  	s7 =	smul.u32 @!p0 $0xF7A, s2;
	p2 =	seq.s32 @!p0 s5, $0x0  }
0x1f: {  	s9 =	smul.u32 $0xF7A, s1;
	s8 =	simm.s32 @!p0 $0x1BF5;
	p2 =	por !p2, p0  }
0x20: {  	[sflag:s8] =	ssyncset.s32 @!p0 $0xFFFFF086;
	s6 =	sadd.s32 @!p0 s3, s7;
	s7 =	simm.s32 @!p0 $0x108  }
0x21: {  	s3 =	sadd.s32 s3, s9;
	s6 =	sadd.s32 @!p0 $0x88, s6;
	s7 =	simm.s32 @p2 $0x1082  }
0x22: {  	[simem:s7], [sflag:s8] =	dma.local @!p0 [hbm:s6], $0xF7A  }
0x23: {  	s9 =	sor.u32 $0xD0000000, s2;
	s6 =	simm.s32 $0x108;
	_ =	swait.ge @!p0 [sflag:s8], $0x0  }
0x24: {  	s3 =	sadd.s32 $0x88, s3;
	s6 =	simm.s32 @!p1 $0x1082;
	[sflag:s4] =	ssyncset.s32 $0xFFFFF086  }
0x25: {  	[simem:s6], [sflag:s4] =	dma.local [hbm:s3], $0xF7A  }
0x26: {  	[smem:$0x3F9C] =	sst s1;
	(tag) =	ssettag s2;
	_ =	strace s9  }
0x27: {  	s1 =	sld [smem:$0x3FAC]  }
0x28: {  	s2 =	sld [smem:$0x3FAD]  }
0x29: {  	s4 =	sld [smem:$0x3FAF]  }
0x2a: {  	p0 =	seq.s32 s5, $0x0;
	s5 =	sld [smem:$0x3FB0]  }
0x2b: {  	s6 =	sld [smem:$0x3FB1]  }
0x2c: {  	s7 =	sld [smem:$0x3FB2]  }
0x2d: {  	s3 =	simm.s32 $0x108;
	s8 =	sld [smem:$0x3FB3]  }
0x2e: {  	s3 =	simm.s32 @!p0 $0x1082;
	s9 =	sld [smem:$0x3FB4]  }
0x2f: {  	lr =	sadd.s32 s0, s3;
	s0 =	sld [smem:$0x3FAB]  }
0x30: {  	s3 =	sld [smem:$0x3FAE]  }
0x31: {  	[smem:$0x3FB7] =	sst s10  }
0x32: {  	s10 =	sld [smem:$0x3FB5];
	_ =	sdelay $0x3  }
0x33: {  	p0 =	seq.s32 s10, $0x1;
	s10 =	sld [smem:$0x3FB7];
	_ =	sdelay $0x3  }
0x34: {  	[smem:$0x3FB7] =	sst s10  }
0x35: {  	s10 =	sld [smem:$0x3FB6];
	_ =	sdelay $0x3  }
0x36: {  	p1 =	seq.s32 s10, $0x1;
	s10 =	sld [smem:$0x3FB7];
	_ =	sdelay $0x3  }
0x37: {  	[smem:$0x3FB7] =	sst s10  }
0x38: {  	s10 =	sld [smem:$0x3FB8]  }
0x39: {  	_ = 	snop;
	(pc) =	sbr.ind lr, $3  }
0x3a: {  	_ = 	snop  }
0x3b: {  	_ = 	snop  }
0x3c: {  	p2 =	seq.s32 s10, $0x1;
	s10 =	sld [smem:$0x3FB7]  }
0x3d: {  	_ =	shalt  }
0x3e: {  	_ =	shalt  }
0x3f: {  	_ =	shalt  }
0x40: {  	_ =	shalt  }
0x41: {  	_ =	shalt  }
0x42: {  	_ =	shalt  }
0x43: {  	_ =	shalt  }
0x44: {  	_ =	shalt  }
0x45: {  	_ =	shalt  }
0x46: {  	_ =	shalt  }
0x47: {  	_ =	shalt  }
0x48: {  	_ =	shalt  }
0x49: {  	_ =	shalt  }
0x4a: {  	_ =	shalt  }
0x4b: {  	_ =	shalt  }
0x4c: {  	_ =	shalt  }
0x4d: {  	_ =	shalt  }
0x4e: {  	_ =	shalt  }
0x4f: {  	_ =	shalt  }
0x50: {  	_ =	shalt  }
0x51: {  	_ =	shalt  }
0x52: {  	_ =	shalt  }
0x53: {  	_ =	shalt  }
0x54: {  	_ =	shalt  }
0x55: {  	_ =	shalt  }
0x56: {  	_ =	shalt  }
0x57: {  	_ =	shalt  }
0x58: {  	_ =	shalt  }
0x59: {  	_ =	shalt  }
0x5a: {  	_ =	shalt  }
0x5b: {  	_ =	shalt  }
0x5c: {  	_ =	shalt  }
0x5d: {  	_ =	shalt  }
0x5e: {  	_ =	shalt  }
0x5f: {  	_ =	shalt  }
0x60: {  	_ =	shalt  }
0x61: {  	_ =	shalt  }
0x62: {  	_ =	shalt  }
0x63: {  	_ =	shalt  }
0x64: {  	_ =	shalt  }
0x65: {  	_ =	shalt  }
0x66: {  	_ =	shalt  }
0x67: {  	_ =	shalt  }
0x68: {  	_ =	shalt  }
0x69: {  	_ =	shalt  }
0x6a: {  	_ =	shalt  }
0x6b: {  	_ =	shalt  }
0x6c: {  	_ =	shalt  }
0x6d: {  	_ =	shalt  }
0x6e: {  	_ =	shalt  }
0x6f: {  	_ =	shalt  }
0x70: {  	_ =	shalt  }
0x71: {  	_ =	shalt  }
0x72: {  	_ =	shalt  }
0x73: {  	_ =	shalt  }
0x74: {  	_ =	shalt  }
0x75: {  	_ =	shalt  }
0x76: {  	_ =	shalt  }
0x77: {  	_ =	shalt  }
0x78: {  	_ =	shalt  }
0x79: {  	_ =	shalt  }
0x7a: {  	_ =	shalt  }
0x7b: {  	_ =	shalt  }
0x7c: {  	_ =	shalt  }
0x7d: {  	_ =	shalt  }
0x7e: {  	_ =	shalt  }
0x7f: {  	_ =	shalt  }
0x80: {  	_ =	shalt  }
0x81: {  	_ =	shalt  }
0x82: {  	_ =	shalt  }
0x83: {  	_ =	shalt  }
0x84: {  	_ =	shalt  }
0x85: {  	_ =	shalt  }
0x86: {  	_ =	shalt  }
0x87: {  	_ =	shalt  }
.Lfunc_end0:
.L_simem_size_0:
called_computation.1_lowered:
.L_overlay_start_0:
0x88: {  	s2 =	sld [smem:$0x3FD9]  }
0x89: {  	s3 =	sld [smem:$0x3FFE];
	_ =	sdelay $0x1  }
0x8a: {  	s1 =	srdreg.scid  }
0x8b: {  	s0 =	sand.u32 $0x1, s1  }
0x8c: {  	s17 =	sshll.u32 s0, $0xA;
	s2 =	sadd.s32 s3, s2  }
0x8d: {  	s2 =	sadd.s32 s2, s17  }
0x8e: {  	[smem:$0x3FC3] =	sst s2  }
0x8f: {  	_ = 	snop  }
0x90: {  	s18 =	sld [smem:$0x3FC7];
	(tm) =	ssettm $0x1  }
0x91: {  	s19 =	sld [smem:$0x3FFB];
	_ =	sdelay $0x3  }
0x92: {  	_ =	strace s19  }
0x93: {  	s2 =	sld [smem:$0x3FFC];
	_ =	sdelay $0x3  }
0x94: {  	_ =	strace s2  }
0x95: {  	s2 =	sld [smem:$0x3FFD];
	_ =	sdelay $0x3  }
0x96: {  	_ =	strace s2  }
0x97: {  	_ =	strace $0x8FFFFFFF  }
0x98: {  	s20 =	sld [smem:$0x3FDB];
	_ =	sdelay $0x1  }
0x99: {  	s4 =	simm.s32 $_scs_section_size  }
0x9a: {  	s5 =	simm.s32 $_size__tile_overlayer_lowered;
	s6 =	simm.s32 $_tile_overlayer_lowered  }
0x9b: {  	s7 =	simm.s32 $0x1BFF;
	s21 =	sshll.u32 s6, $0x1;
	s4 =	sadd.s32 s4, s20  }
0x9c: {  	s22 =	simm.s32 $0x0;
	s5 =	sshll.u32 s5, $0x1;
	s6 =	sadd.s32 s21, s4  }
0x9d: {  	[timem:s22], [sflag:s7] =	dma.local [hbm:s6], s5  }
0x9e: {  	_ =	swait.ge [sflag:s7], s5  }
0x9f: {  	s5 =	ssub.s32 $0x0, s5;
	[sflag:s7] =	ssyncset.done $0x0  }
0xa0: {  	[sflag:s7] =	ssyncadd.s32 s5;
	_ =	sdelay $0x1  }
0xa1: {  	s23 =	simm.s32 $0x1B8B  }
0xa2: {  	_ =	swait.ge [sflag:s23], $0x1  }
0xa3: {  	[sflag:s23] =	ssyncset.done $0x0  }
0xa4: {  	[sflag:s23] =	ssyncadd.s32 $0xFFFFFFFF  }
0xa5: {  	s5 =	sld [smem:$0x0]  }
0xa6: {  	s6 =	sand.u32 $0xFFFFFFFE, s1  }
0xa7: {  	p0 =	sne.s32 s1, s6  }
0xa8: {  	s6 =	sshll.u32 @p0 s6, $0xE  }
0xa9: {  	s6 =	sadd.s32 @p0 $0x11B8D, s6;
	s7 =	sshll.u32 @p0 s5, $0x11  }
0xaa: {  	s6 =	sor.u32 @p0 s7, s6  }
0xab: {  	[sflag:s6] =	ssyncadd.remote.s32 @p0 $0x1;
	_ =	sdelay $0x1  }
0xac: {  	s6 =	simm.s32 @p0 $0x1B8D  }
0xad: {  	_ =	swait.eq @p0 [sflag:s6], $0x1  }
0xae: {  	[sflag:s6] =	ssyncadd.s32 @p0 $0xFFFFFFFF  }
0xaf: {  	s7 =	sshll.u32 @!p0 s1, $0xE  }
0xb0: {  	s7 =	sor.u32 @!p0 $0x4000, s7;
	s6 =	simm.s32 @!p0 $0x1B8D  }
0xb1: {  	s5 =	sshll.u32 @!p0 s5, $0x11;
	s7 =	sadd.s32 @!p0 $0x11B8D, s7;
	_ =	swait.eq @!p0 [sflag:s6], $0x1  }
0xb2: {  	s5 =	sor.u32 @!p0 s5, s7;
	[sflag:s6] =	ssyncadd.s32 @!p0 $0xFFFFFFFF  }
0xb3: {  	s25 =	simm.s32 $0x1B8E;
	s24 =	sld [smem:$0x3FFE];
	[sflag:s5] =	ssyncadd.remote.s32 @!p0 $0x1  }
0xb4: {  	s26 =	simm.s32 $execute0_lowered;
	[smem:$0x3FD2] =	sst s25  }
0xb5: {  	s6 =	sshll.u32 s26, $0x1;
	_ =	strace $0x80000049;
	[dreg:$0x1] =	wrdreg $0xFFFFFFFF  }
0xb6: {  	s28 =	simm.s32 $_size_execute0_lowered;
	s4 =	sadd.s32 s4, s6;
	[dreg:$0x0] =	wrdreg $0x0  }
0xb7: {  	s6 =	sshll.u32 s28, $0x1;
	[dreg:$0x2] =	wrdreg s4  }
0xb8: {  	[dreg:$0x3] =	wrdreg s6  }
0xb9: {  	[dreg:$0x4] =	wrdreg $0xC0  }
0xba: {  	_ =	task [dreg:s22], $0x5FFFF  }
0xbb: {  	[dreg:$0x1] =	wrdreg $0xFFFFFFFF  }
0xbc: {  	[dreg:$0x0] =	wrdreg $0x60  }
0xbd: {  	[dreg:$0x2] =	wrdreg s18  }
0xbe: {  	[dreg:$0x3] =	wrdreg s24  }
0xbf: {  	[dreg:$0x4] =	wrdreg $0xA  }
0xc0: {  	_ =	task.clear_ibuf [dreg:s22], $0x5FFFF;
	_ =	strace $0x90000049  }
0xc1: {  	s29 =	simm.s32 $0xA;
	_ =	strace $0x8000004B  }
0xc2: {  	_ =	swait.ge [sflag:s29], $0x1  }
0xc3: {  	[sflag:s29] =	ssyncadd.s32 $0xFFFFFFFF  }
0xc4: {  	_ =	strace $0x9000004B  }
0xc5: {  	_ =	sfence  }
0xc6: {  	s30 =	sld [smem:$0x0];
	_ =	sdelay $0x2  }
0xc7: {  	s31 =	sshll.u32 s1, $0xD;
	s1 =	sshrl.u32 s1, $0x2  }
0xc8: {  	s4 =	sand.u32 $0x4000, s31;
	s1 =	sadd.s32 s1, s30  }
0xc9: {  	s0 =	sor.u32 s4, s0;
	s1 =	sshll.u32 s1, $0x11  }
0xca: {  	s0 =	sor.u32 s1, s0  }
0xcb: {  	s0 =	sadd.s32 $0x8F2B, s0  }
0xcc: {  	[sflag:s0] =	ssyncadd.remote.s32 $0x1  }
0xcd: {  	_ =	sfence.sel $0xFFFF  }
0xce: {  	[dreg:$0x0] =	wrdreg $0xFFFFFFFF;
	(pc) =	sbr.abs _section_cstart, $3  }
0xcf: {  	[dreg:$0x1] =	wrdreg $0xFFFFFFFF  }
0xd0: {  	_ =	task.clear_ibuf [dreg:s22], $0x2FFFF;
	_ =	strace $0x9FFFFFFF  }
0xd1: {  	(tm) =	ssettm $0x7FFFFFFF  }
tec
execute0_lowered:
.L_overlay_start_1:
0x0: {  	(tag) =	ssettag $0x1  }
0x1: {  	s1 =	srdreg.scid  }
0x2: {  	s0 =	stileid.u32;
	s2 =	rddreg [dreg:$0x0]  }
0x3: {  	s4 =	rddreg [dreg:$0x1];
	s15 =	simm.s32 $0x880;
	s16 =	simm.s32 $0x1080  }
0x4: {  	s17 =	simm.s32 $0x1880;
	s1 =	sand.u32 $0x1, s1;
	s3 =	sshll.u32 s0, $0x1  }
0x5: {  	s18 =	simm.s32 $0x2080;
	s5 =	sor.u32 s1, s3;
	s3 =	simm.s32 $0x0  }
0x6: {  	s19 =	simm.s32 $0x2880;
	s20 =	simm.s32 $0x3080;
	[smem:$0x7FF] =	sst s3  }
0x7: {  	s21 =	simm.s32 $0x3880;
	_ =	strace $0x8000004A;
	[dreg:$0x6] =	wrdreg s15  }
0x8: {  	s23 =	simm.s32 $0x4080;
	s24 =	simm.s32 $0x4880;
	[dreg:$0x7] =	wrdreg s16  }
0x9: {  	s25 =	simm.s32 $0x5080;
	s26 =	simm.s32 $0x5880;
	[dreg:$0x8] =	wrdreg s17  }
0xa: {  	s7 =	simm.s32 $0x80;
	s9 =	simm.s32 $0x6880;
	[dreg:$0x9] =	wrdreg s18  }
0xb: {  	s10 =	simm.s32 $0x7080;
	s11 =	simm.s32 $0x7880;
	[dreg:$0xa] =	wrdreg s19  }
0xc: {  	s12 =	simm.s32 $0x8080;
	s28 =	simm.s32 $0xF880;
	[dreg:$0xb] =	wrdreg s20  }
0xd: {  	s29 =	simm.s32 $0x1;
	s30 =	simm.s32 $0x2;
	[dreg:$0xc] =	wrdreg s21  }
0xe: {  	s31 =	simm.s32 $0x3;
	s1 =	ssub.s32 $0x2, s1;
	[dreg:$0xd] =	wrdreg s23  }
0xf: {  	s6 =	sshll.u32 s5, $0x4;
	s5 =	sshll.u32 s5, $0xD;
	[dreg:$0xe] =	wrdreg s24  }
0x10: {  	s22 =	sshrl.u32 s1, $0x1;
	s6 =	sadd.s32 s6, s4;
	[dreg:$0xf] =	wrdreg s25  }
0x11: {  	s4 =	sadd.s32 s5, s4;
	s1 =	ssub.s32 s1, s22;
	[dreg:$0x10] =	wrdreg s26  }
0x12: {  	s15 =	simm.s32 $0x9880;
	s16 =	simm.s32 $0xA080;
	s17 =	simm.s32 $0xA880  }
0x13: {  	s18 =	simm.s32 $0xB080;
	s19 =	simm.s32 $0xB880;
	s20 =	simm.s32 $0xC080  }
0x14: {  	s21 =	simm.s32 $0xC880;
	s22 =	simm.s32 $0xD080;
	s23 =	simm.s32 $0xD880  }
0x15: {  	s24 =	simm.s32 $0xE080;
	s25 =	simm.s32 $0xE880;
	s13 =	sadd.s32 $0x1000, s6  }
0x16: {  	s26 =	simm.s32 $0xF080;
	s14 =	sadd.s32 $0x1200, s4;
	[dreg:$0x3] =	wrdreg s13  }
0x17: {  	v2 =	vlaneseq.u32;
	s4 =	sadd.s32 $0x2200, s4;
	s5 =	smax.u32 s1, $0x1;
	[dreg:$0x4] =	wrdreg s14  }
0x18: {  	vm0 =	vmmov $0xffff;
	v1 =	vshrl.u32 v2, $0x3;
	s6 =	simm.s32 $0x5;
	s1 =	simm.s32 $0x4;
	[dreg:$0x5] =	wrdreg s4  }
0x19: {  	v0 =	vand.u32 $0x7, v2;
	v2 =	vor.u32 $0x8, v2;
	v1 =	vmul.u32 $0x8, v1;
	s4 =	sadd.s32 $0x100, s2;
	s13 =	simm.s32 $0x8880;
	s14 =	simm.s32 $0x9080  }
.LBB2_1:
0x1a: {  	s0 =	rddreg [dreg:$0x3]  }
0x1b: {  	[tilespmem:s3], [sflag:$0x5] =	stream.linear.gather [hbm4b:s0+s3], $0x80, $0x38;
	[tilespmem:$0x10080] =	vst v63  }
0x1c: {  	_ =	swait.ge [sflag:s6], $0x80  }
0x1d: {  	[sflag:s6] =	ssyncset.done $0x0  }
0x1e: {  	[sflag:s6] =	ssyncadd.s32 $0xFFFFFF80  }
0x1f: {  	v3 =	vld [tilespmem:$0x0];
	_ =	sdelay $0x4  }
0x20: {  	v4 =	vshll.u32 v3, $0x2  }
0x21: {  	v3 =	vand.u32 $0x7, v3;
	v4 =	vand.u32 $0xFFFFFFE0, v4  }
0x22: {  	v3 =	vor.u32 v3, v4  }
0x23: {  	v4 =	vperm.xlane v3, v0;
	_ =	sdelay $0x1  }
0x24: {  	v4 =	vadd.s32 v1, v4;
	_ =	sdelay $0x1  }
0x25: {  	v3 =	vperm.xlane v3, v2;
	_ =	sdelay $0x1  }
0x26: {  	v3 =	vadd.s32 v1, v3  }
0x27: {  	[tilespmem:s7], [sflag:$0x1] =	stream.indirect_vreg.gather [hbm4b:s2+s3], $0x80, v4, vm0, $0xb8;
	[tilespmem:$0x10080] =	vst v63  }
0x28: {  	s0 =	rddreg [dreg:$0x6]  }
0x29: {  	[tilespmem:s0], [sflag:$0x1] =	stream.indirect_vreg.gather [hbm4b:s4+s3], $0x80, v4, vm0, $0xb8;
	[tilespmem:$0x10080] =	vst v63  }
0x2a: {  	s8 =	rddreg [dreg:$0x7]  }
0x2b: {  	[tilespmem:s8], [sflag:$0x1] =	stream.indirect_vreg.gather [hbm4b:s2+s3], $0x80, v3, vm0, $0xb8;
	[tilespmem:$0x10080] =	vst v63  }
0x2c: {  	s0 =	rddreg [dreg:$0x8]  }
0x2d: {  	[tilespmem:s0], [sflag:$0x1] =	stream.indirect_vreg.gather [hbm4b:s4+s3], $0x80, v3, vm0, $0xb8;
	[tilespmem:$0x10080] =	vst v63  }
0x2e: {  	v3 =	vld [tilespmem:$0x10];
	_ =	sdelay $0x4  }
0x2f: {  	v57 =	vshll.u32 v3, $0x2  }
0x30: {  	v3 =	vand.u32 $0x7, v3;
	v4 =	vand.u32 $0xFFFFFFE0, v57  }
0x31: {  	v3 =	vor.u32 v3, v4  }
0x32: {  	v4 =	vperm.xlane v3, v0;
	_ =	sdelay $0x1  }
0x33: {  	v4 =	vadd.s32 v1, v4;
	_ =	sdelay $0x1  }
0x34: {  	v3 =	vperm.xlane v3, v2;
	_ =	sdelay $0x1  }
0x35: {  	s0 =	rddreg [dreg:$0x9];
	v3 =	vadd.s32 v1, v3  }
0x36: {  	[tilespmem:s0], [sflag:$0x1] =	stream.indirect_vreg.gather [hbm4b:s2+s3], $0x80, v4, vm0, $0xb8;
	[tilespmem:$0x10080] =	vst v63  }
0x37: {  	s8 =	rddreg [dreg:$0xa]  }
0x38: {  	[tilespmem:s8], [sflag:$0x1] =	stream.indirect_vreg.gather [hbm4b:s4+s3], $0x80, v4, vm0, $0xb8;
	[tilespmem:$0x10080] =	vst v63  }
0x39: {  	s0 =	rddreg [dreg:$0xb]  }
0x3a: {  	[tilespmem:s0], [sflag:$0x1] =	stream.indirect_vreg.gather [hbm4b:s2+s3], $0x80, v3, vm0, $0xb8;
	[tilespmem:$0x10080] =	vst v63  }
0x3b: {  	s8 =	rddreg [dreg:$0xc]  }
0x3c: {  	[tilespmem:s8], [sflag:$0x1] =	stream.indirect_vreg.gather [hbm4b:s4+s3], $0x80, v3, vm0, $0xb8;
	[tilespmem:$0x10080] =	vst v63  }
0x3d: {  	v3 =	vld [tilespmem:$0x20];
	_ =	sdelay $0x4  }
0x3e: {  	v58 =	vshll.u32 v3, $0x2  }
0x3f: {  	v3 =	vand.u32 $0x7, v3;
	v4 =	vand.u32 $0xFFFFFFE0, v58  }
0x40: {  	v3 =	vor.u32 v3, v4  }
0x41: {  	v4 =	vperm.xlane v3, v0;
	_ =	sdelay $0x1  }
0x42: {  	v4 =	vadd.s32 v1, v4;
	_ =	sdelay $0x1  }
0x43: {  	v3 =	vperm.xlane v3, v2;
	_ =	sdelay $0x1  }
0x44: {  	s0 =	rddreg [dreg:$0xd];
	v3 =	vadd.s32 v1, v3  }
0x45: {  	[tilespmem:s0], [sflag:$0x1] =	stream.indirect_vreg.gather [hbm4b:s2+s3], $0x80, v4, vm0, $0xb8;
	[tilespmem:$0x10080] =	vst v63  }
0x46: {  	s8 =	rddreg [dreg:$0xe]  }
0x47: {  	[tilespmem:s8], [sflag:$0x1] =	stream.indirect_vreg.gather [hbm4b:s4+s3], $0x80, v4, vm0, $0xb8;
	[tilespmem:$0x10080] =	vst v63  }
0x48: {  	s0 =	rddreg [dreg:$0xf]  }
0x49: {  	[tilespmem:s0], [sflag:$0x1] =	stream.indirect_vreg.gather [hbm4b:s2+s3], $0x80, v3, vm0, $0xb8;
	[tilespmem:$0x10080] =	vst v63  }
0x4a: {  	s8 =	rddreg [dreg:$0x10]  }
0x4b: {  	[tilespmem:s8], [sflag:$0x1] =	stream.indirect_vreg.gather [hbm4b:s4+s3], $0x80, v3, vm0, $0xb8;
	[tilespmem:$0x10080] =	vst v63  }
0x4c: {  	v3 =	vld [tilespmem:$0x30];
	_ =	sdelay $0x4  }
0x4d: {  	v59 =	vshll.u32 v3, $0x2  }
0x4e: {  	v3 =	vand.u32 $0x7, v3;
	v4 =	vand.u32 $0xFFFFFFE0, v59  }
0x4f: {  	v3 =	vor.u32 v3, v4  }
0x50: {  	v4 =	vperm.xlane v3, v0;
	_ =	sdelay $0x1  }
0x51: {  	v4 =	vadd.s32 v1, v4;
	_ =	sdelay $0x1  }
0x52: {  	v3 =	vperm.xlane v3, v2;
	_ =	sdelay $0x1  }
0x53: {  	s8 =	simm.s32 $0x6080;
	v3 =	vadd.s32 v1, v3  }
0x54: {  	[tilespmem:s8], [sflag:$0x1] =	stream.indirect_vreg.gather [hbm4b:s2+s3], $0x80, v4, vm0, $0xb8;
	[tilespmem:$0x10080] =	vst v63  }
0x55: {  	_ = 	snop  }
0x56: {  	[tilespmem:s9], [sflag:$0x1] =	stream.indirect_vreg.gather [hbm4b:s4+s3], $0x80, v4, vm0, $0xb8;
	[tilespmem:$0x10080] =	vst v63  }
0x57: {  	_ = 	snop  }
0x58: {  	[tilespmem:s10], [sflag:$0x1] =	stream.indirect_vreg.gather [hbm4b:s2+s3], $0x80, v3, vm0, $0xb8;
	[tilespmem:$0x10080] =	vst v63  }
0x59: {  	_ = 	snop  }
0x5a: {  	[tilespmem:s11], [sflag:$0x1] =	stream.indirect_vreg.gather [hbm4b:s4+s3], $0x80, v3, vm0, $0xb8;
	[tilespmem:$0x10080] =	vst v63  }
0x5b: {  	v3 =	vld [tilespmem:$0x40];
	_ =	sdelay $0x4  }
0x5c: {  	v60 =	vshll.u32 v3, $0x2  }
0x5d: {  	v3 =	vand.u32 $0x7, v3;
	v4 =	vand.u32 $0xFFFFFFE0, v60  }
0x5e: {  	v3 =	vor.u32 v3, v4  }
0x5f: {  	v4 =	vperm.xlane v3, v0;
	_ =	sdelay $0x1  }
0x60: {  	v4 =	vadd.s32 v1, v4;
	_ =	sdelay $0x1  }
0x61: {  	v3 =	vperm.xlane v3, v2;
	_ =	sdelay $0x1  }
0x62: {  	v3 =	vadd.s32 v1, v3  }
0x63: {  	[tilespmem:s12], [sflag:$0x2] =	stream.indirect_vreg.gather [hbm4b:s2+s3], $0x80, v4, vm0, $0xb8;
	[tilespmem:$0x10080] =	vst v63  }
0x64: {  	_ = 	snop  }
0x65: {  	[tilespmem:s13], [sflag:$0x2] =	stream.indirect_vreg.gather [hbm4b:s4+s3], $0x80, v4, vm0, $0xb8;
	[tilespmem:$0x10080] =	vst v63  }
0x66: {  	_ = 	snop  }
0x67: {  	[tilespmem:s14], [sflag:$0x2] =	stream.indirect_vreg.gather [hbm4b:s2+s3], $0x80, v3, vm0, $0xb8;
	[tilespmem:$0x10080] =	vst v63  }
0x68: {  	_ = 	snop  }
0x69: {  	[tilespmem:s15], [sflag:$0x2] =	stream.indirect_vreg.gather [hbm4b:s4+s3], $0x80, v3, vm0, $0xb8;
	[tilespmem:$0x10080] =	vst v63  }
0x6a: {  	v3 =	vld [tilespmem:$0x50];
	_ =	sdelay $0x4  }
0x6b: {  	v61 =	vshll.u32 v3, $0x2  }
0x6c: {  	v3 =	vand.u32 $0x7, v3;
	v4 =	vand.u32 $0xFFFFFFE0, v61  }
0x6d: {  	v3 =	vor.u32 v3, v4  }
0x6e: {  	v4 =	vperm.xlane v3, v0;
	_ =	sdelay $0x1  }
0x6f: {  	v4 =	vadd.s32 v1, v4;
	_ =	sdelay $0x1  }
0x70: {  	v3 =	vperm.xlane v3, v2;
	_ =	sdelay $0x1  }
0x71: {  	v3 =	vadd.s32 v1, v3  }
0x72: {  	[tilespmem:s16], [sflag:$0x2] =	stream.indirect_vreg.gather [hbm4b:s2+s3], $0x80, v4, vm0, $0xb8;
	[tilespmem:$0x10080] =	vst v63  }
0x73: {  	_ = 	snop  }
0x74: {  	[tilespmem:s17], [sflag:$0x2] =	stream.indirect_vreg.gather [hbm4b:s4+s3], $0x80, v4, vm0, $0xb8;
	[tilespmem:$0x10080] =	vst v63  }
0x75: {  	_ = 	snop  }
0x76: {  	[tilespmem:s18], [sflag:$0x2] =	stream.indirect_vreg.gather [hbm4b:s2+s3], $0x80, v3, vm0, $0xb8;
	[tilespmem:$0x10080] =	vst v63  }
0x77: {  	_ = 	snop  }
0x78: {  	[tilespmem:s19], [sflag:$0x2] =	stream.indirect_vreg.gather [hbm4b:s4+s3], $0x80, v3, vm0, $0xb8;
	[tilespmem:$0x10080] =	vst v63  }
0x79: {  	v3 =	vld [tilespmem:$0x60];
	_ =	sdelay $0x4  }
0x7a: {  	v62 =	vshll.u32 v3, $0x2  }
0x7b: {  	v3 =	vand.u32 $0x7, v3;
	v4 =	vand.u32 $0xFFFFFFE0, v62  }
0x7c: {  	v3 =	vor.u32 v3, v4  }
0x7d: {  	v4 =	vperm.xlane v3, v0;
	_ =	sdelay $0x1  }
0x7e: {  	v4 =	vadd.s32 v1, v4;
	_ =	sdelay $0x1  }
0x7f: {  	v3 =	vperm.xlane v3, v2;
	_ =	sdelay $0x1  }
0x80: {  	v3 =	vadd.s32 v1, v3  }
0x81: {  	[tilespmem:s20], [sflag:$0x2] =	stream.indirect_vreg.gather [hbm4b:s2+s3], $0x80, v4, vm0, $0xb8;
	[tilespmem:$0x10080] =	vst v63  }
0x82: {  	_ = 	snop  }
0x83: {  	[tilespmem:s21], [sflag:$0x2] =	stream.indirect_vreg.gather [hbm4b:s4+s3], $0x80, v4, vm0, $0xb8;
	[tilespmem:$0x10080] =	vst v63  }
0x84: {  	_ = 	snop  }
0x85: {  	[tilespmem:s22], [sflag:$0x2] =	stream.indirect_vreg.gather [hbm4b:s2+s3], $0x80, v3, vm0, $0xb8;
	[tilespmem:$0x10080] =	vst v63  }
0x86: {  	_ = 	snop  }
0x87: {  	[tilespmem:s23], [sflag:$0x2] =	stream.indirect_vreg.gather [hbm4b:s4+s3], $0x80, v3, vm0, $0xb8;
	[tilespmem:$0x10080] =	vst v63  }
0x88: {  	v3 =	vld [tilespmem:$0x70];
	_ =	sdelay $0x4  }
0x89: {  	v63 =	vshll.u32 v3, $0x2  }
0x8a: {  	v3 =	vand.u32 $0x7, v3;
	v4 =	vand.u32 $0xFFFFFFE0, v63  }
0x8b: {  	v3 =	vor.u32 v3, v4  }
0x8c: {  	v4 =	vperm.xlane v3, v0;
	_ =	sdelay $0x1  }
0x8d: {  	v4 =	vadd.s32 v1, v4;
	_ =	sdelay $0x1  }
0x8e: {  	v3 =	vperm.xlane v3, v2;
	_ =	sdelay $0x1  }
0x8f: {  	v3 =	vadd.s32 v1, v3  }
0x90: {  	[tilespmem:s24], [sflag:$0x2] =	stream.indirect_vreg.gather [hbm4b:s2+s3], $0x80, v4, vm0, $0xb8;
	[tilespmem:$0x10080] =	vst v63  }
0x91: {  	_ = 	snop  }
0x92: {  	[tilespmem:s25], [sflag:$0x2] =	stream.indirect_vreg.gather [hbm4b:s4+s3], $0x80, v4, vm0, $0xb8;
	[tilespmem:$0x10080] =	vst v63  }
0x93: {  	_ = 	snop  }
0x94: {  	[tilespmem:s26], [sflag:$0x2] =	stream.indirect_vreg.gather [hbm4b:s2+s3], $0x80, v3, vm0, $0xb8;
	[tilespmem:$0x10080] =	vst v63  }
0x95: {  	_ = 	snop  }
0x96: {  	[tilespmem:s28], [sflag:$0x2] =	stream.indirect_vreg.gather [hbm4b:s4+s3], $0x80, v3, vm0, $0xb8;
	[tilespmem:$0x10080] =	vst v63  }
0x97: {  	_ =	swait.ge [sflag:s29], $0x8000  }
0x98: {  	[sflag:s29] =	ssyncset.done $0x0  }
0x99: {  	s8 =	rddreg [dreg:$0x4];
	[sflag:s29] =	ssyncadd.s32 $0xFFFF8000  }
0x9a: {  	[hbm4b:s8+s3] =	stream.linear.scatter [tilespmem:s7], [sflag:$0x3], $0x8000, $0x38;
	[tilespmem:$0x10080] =	vst v63  }
0x9b: {  	_ =	swait.ge [sflag:s30], $0x8000  }
0x9c: {  	[sflag:s30] =	ssyncset.done $0x0  }
0x9d: {  	s8 =	rddreg [dreg:$0x5];
	[sflag:s30] =	ssyncadd.s32 $0xFFFF8000  }
0x9e: {  	[hbm4b:s8+s3] =	stream.linear.scatter [tilespmem:s12], [sflag:$0x4], $0x8000, $0x38;
	[tilespmem:$0x10080] =	vst v63  }
0x9f: {  	p0 =	sne.s32 s5, $0x1;
	_ =	swait.ge [sflag:s31], $0x8000  }
.Ltmp0:
0xa0: {  	[sflag:s31] =	ssyncset.done $0x0;
	(pc) =	sbr.rel @p0 .LBB2_1-.Ltmp0, $4  }
0xa1: {  	[sflag:s31] =	ssyncadd.s32 $0xFFFF8000  }
0xa2: {  	_ =	swait.ge [sflag:s1], $0x8000  }
0xa3: {  	[sflag:s1] =	ssyncset.done $0x0  }
0xa4: {  	s5 =	sadd.s32 $0xFFFFFFFF, s5;
	[sflag:s1] =	ssyncadd.s32 $0xFFFF8000  }
0xa5: {  	_ =	sfence.sel $0x180000  }
0xa6: {  	[bflag:$0x0] =	sbarrier.arrive $0xFFFF  }
0xa7: {  	_ =	strace $0x9000004A  }
0xa8: {  	s0 =	stileid.u32;
	[bflag:$0x2] =	sbarrier.arrive $0xFFFF  }
0xa9: {  	p0 =	sne.s32 s0, $0x0;
	s0 =	rddreg [dreg:$0x2]  }
0xaa: {  	s0 =	sadd.s32 @!p0 $0x100000, s0  }
0xab: {  	[sflag:s0] =	ssyncadd.tile.s32 @!p0 $0x1;
	_ =	shalt  }
.Lfunc_end2:
_tile_overlayer_lowered:
.L_overlay_start_2:
0xac: {  	(tag) =	ssettag $0x2  }
0xad: {  	s0 =	rddreg [dreg:$0x0];
	s2 =	stileid.u32  }
0xae: {  	s1 =	rddreg [dreg:$0x1];
	p0 =	sne.s32 s2, $0x0  }
0xaf: {  	s3 =	rddreg [dreg:$0x2];
	[bflag:$0x3] =	sbarrier.arrive $0xFFFF;
	s2 =	simm.s32 @!p0 $0x1C05  }
0xb0: {  	[timem:s3], [sflag:s2] =	dma.local @!p0 [hbm:s0], s1  }
0xb1: {  	s0 =	simm.s32 @!p0 $0x5  }
0xb2: {  	_ =	swait.ge @!p0 [sflag:s0], s1  }
0xb3: {  	s1 =	ssub.s32 @!p0 $0x0, s1;
	[sflag:s0] =	ssyncset.done @!p0 $0x0  }
0xb4: {  	[sflag:s0] =	ssyncadd.s32 @!p0 s1  }
0xb5: {  	[bflag:$0x3] =	sbarrier.arrive $0xFFFF  }
0xb6: {  	_ =	shalt  }

// kernel: kernel.7.cloned.1.call-start
scs
__scs_entry_jumppad:
0x0: {  	(pc) =	sbr.rel $0x88, $3  }
0x1: {  	(tag) =	ssettag $0x0;
	lr =	simm.s32 $0x1  }
0x2: {  	[smem:$0x3F9C] =	sst lr;
	_ =	strace $0xD0000000  }
0x3: {  	_ = 	snop  }
0x4: {  	_ = 	snop  }
0x5: {  	_ = 	snop  }
0x6: {  	_ = 	snop  }
0x7: {  	_ = 	snop  }
__scs_overlays_trampoline_lowered:
0x8: {  	[smem:$0x3FAB] =	sst s0  }
0x9: {  	[smem:$0x3FAC] =	sst s1  }
0xa: {  	[smem:$0x3FAD] =	sst s2  }
0xb: {  	[smem:$0x3FAE] =	sst s3  }
0xc: {  	[smem:$0x3FAF] =	sst s4  }
0xd: {  	[smem:$0x3FB0] =	sst s5  }
0xe: {  	[smem:$0x3FB1] =	sst s6  }
0xf: {  	[smem:$0x3FB2] =	sst s7  }
0x10: {  	[smem:$0x3FB3] =	sst s8  }
0x11: {  	[smem:$0x3FB4] =	sst s9;
	s0 =	simm.s32 @!p0 $0x0  }
0x12: {  	s1 =	sld [smem:$0x3F9A];
	s0 =	simm.s32 @p0 $0x1  }
0x13: {  	[smem:$0x3FB5] =	sst s0;
	s0 =	simm.s32 @!p1 $0x0  }
0x14: {  	s2 =	sld [smem:$0x3F99];
	s0 =	simm.s32 @p1 $0x1  }
0x15: {  	[smem:$0x3FB6] =	sst s0;
	s0 =	simm.s32 @!p2 $0x0  }
0x16: {  	s3 =	sld [smem:$0x3FDB];
	s0 =	simm.s32 @p2 $0x1  }
0x17: {  	s4 =	simm.s32 $0x1BF5;
	[smem:$0x3FB8] =	sst s0  }
0x18: {  	s0 =	sld [smem:$0x3F9B];
	_ =	swait.ge [sflag:s4], $0x0  }
0x19: {  	s7 =	sld [smem:$0x3F9C]  }
0x1a: {  	s8 =	sadd.s32 $0xFFFFE003, lr  }
0x1b: {  	s9 =	sadd.s32 $0xFFFFFEF7, lr;
	s5 =	simm.s32 $0xFFFFFFFF;
	p2 =	slt.u32 s8, $0xFFFFF086  }
0x1c: {  	p1 =	slt.u32 s9, $0xF7A;
	s5 =	simm.s32 @!p2 $0x0  }
0x1d: {  	s5 =	simm.s32 @p1 $0x1;
	p0 =	seq.s32 s7, s2  }
0x1e: {  	s7 =	smul.u32 @!p0 $0xF7A, s2;
	p2 =	seq.s32 @!p0 s5, $0x0  }
0x1f: {  	s9 =	smul.u32 $0xF7A, s1;
	s8 =	simm.s32 @!p0 $0x1BF5;
	p2 =	por !p2, p0  }
0x20: {  	[sflag:s8] =	ssyncset.s32 @!p0 $0xFFFFF086;
	s6 =	sadd.s32 @!p0 s3, s7;
	s7 =	simm.s32 @!p0 $0x108  }
0x21: {  	s3 =	sadd.s32 s3, s9;
	s6 =	sadd.s32 @!p0 $0x88, s6;
	s7 =	simm.s32 @p2 $0x1082  }
0x22: {  	[simem:s7], [sflag:s8] =	dma.local @!p0 [hbm:s6], $0xF7A  }
0x23: {  	s9 =	sor.u32 $0xD0000000, s2;
	s6 =	simm.s32 $0x108;
	_ =	swait.ge @!p0 [sflag:s8], $0x0  }
0x24: {  	s3 =	sadd.s32 $0x88, s3;
	s6 =	simm.s32 @!p1 $0x1082;
	[sflag:s4] =	ssyncset.s32 $0xFFFFF086  }
0x25: {  	[simem:s6], [sflag:s4] =	dma.local [hbm:s3], $0xF7A  }
0x26: {  	[smem:$0x3F9C] =	sst s1;
	(tag) =	ssettag s2;
	_ =	strace s9  }
0x27: {  	s1 =	sld [smem:$0x3FAC]  }
0x28: {  	s2 =	sld [smem:$0x3FAD]  }
0x29: {  	s4 =	sld [smem:$0x3FAF]  }
0x2a: {  	p0 =	seq.s32 s5, $0x0;
	s5 =	sld [smem:$0x3FB0]  }
0x2b: {  	s6 =	sld [smem:$0x3FB1]  }
0x2c: {  	s7 =	sld [smem:$0x3FB2]  }
0x2d: {  	s3 =	simm.s32 $0x108;
	s8 =	sld [smem:$0x3FB3]  }
0x2e: {  	s3 =	simm.s32 @!p0 $0x1082;
	s9 =	sld [smem:$0x3FB4]  }
0x2f: {  	lr =	sadd.s32 s0, s3;
	s0 =	sld [smem:$0x3FAB]  }
0x30: {  	s3 =	sld [smem:$0x3FAE]  }
0x31: {  	[smem:$0x3FB7] =	sst s10  }
0x32: {  	s10 =	sld [smem:$0x3FB5];
	_ =	sdelay $0x3  }
0x33: {  	p0 =	seq.s32 s10, $0x1;
	s10 =	sld [smem:$0x3FB7];
	_ =	sdelay $0x3  }
0x34: {  	[smem:$0x3FB7] =	sst s10  }
0x35: {  	s10 =	sld [smem:$0x3FB6];
	_ =	sdelay $0x3  }
0x36: {  	p1 =	seq.s32 s10, $0x1;
	s10 =	sld [smem:$0x3FB7];
	_ =	sdelay $0x3  }
0x37: {  	[smem:$0x3FB7] =	sst s10  }
0x38: {  	s10 =	sld [smem:$0x3FB8]  }
0x39: {  	_ = 	snop;
	(pc) =	sbr.ind lr, $3  }
0x3a: {  	_ = 	snop  }
0x3b: {  	_ = 	snop  }
0x3c: {  	p2 =	seq.s32 s10, $0x1;
	s10 =	sld [smem:$0x3FB7]  }
0x3d: {  	_ =	shalt  }
0x3e: {  	_ =	shalt  }
0x3f: {  	_ =	shalt  }
0x40: {  	_ =	shalt  }
0x41: {  	_ =	shalt  }
0x42: {  	_ =	shalt  }
0x43: {  	_ =	shalt  }
0x44: {  	_ =	shalt  }
0x45: {  	_ =	shalt  }
0x46: {  	_ =	shalt  }
0x47: {  	_ =	shalt  }
0x48: {  	_ =	shalt  }
0x49: {  	_ =	shalt  }
0x4a: {  	_ =	shalt  }
0x4b: {  	_ =	shalt  }
0x4c: {  	_ =	shalt  }
0x4d: {  	_ =	shalt  }
0x4e: {  	_ =	shalt  }
0x4f: {  	_ =	shalt  }
0x50: {  	_ =	shalt  }
0x51: {  	_ =	shalt  }
0x52: {  	_ =	shalt  }
0x53: {  	_ =	shalt  }
0x54: {  	_ =	shalt  }
0x55: {  	_ =	shalt  }
0x56: {  	_ =	shalt  }
0x57: {  	_ =	shalt  }
0x58: {  	_ =	shalt  }
0x59: {  	_ =	shalt  }
0x5a: {  	_ =	shalt  }
0x5b: {  	_ =	shalt  }
0x5c: {  	_ =	shalt  }
0x5d: {  	_ =	shalt  }
0x5e: {  	_ =	shalt  }
0x5f: {  	_ =	shalt  }
0x60: {  	_ =	shalt  }
0x61: {  	_ =	shalt  }
0x62: {  	_ =	shalt  }
0x63: {  	_ =	shalt  }
0x64: {  	_ =	shalt  }
0x65: {  	_ =	shalt  }
0x66: {  	_ =	shalt  }
0x67: {  	_ =	shalt  }
0x68: {  	_ =	shalt  }
0x69: {  	_ =	shalt  }
0x6a: {  	_ =	shalt  }
0x6b: {  	_ =	shalt  }
0x6c: {  	_ =	shalt  }
0x6d: {  	_ =	shalt  }
0x6e: {  	_ =	shalt  }
0x6f: {  	_ =	shalt  }
0x70: {  	_ =	shalt  }
0x71: {  	_ =	shalt  }
0x72: {  	_ =	shalt  }
0x73: {  	_ =	shalt  }
0x74: {  	_ =	shalt  }
0x75: {  	_ =	shalt  }
0x76: {  	_ =	shalt  }
0x77: {  	_ =	shalt  }
0x78: {  	_ =	shalt  }
0x79: {  	_ =	shalt  }
0x7a: {  	_ =	shalt  }
0x7b: {  	_ =	shalt  }
0x7c: {  	_ =	shalt  }
0x7d: {  	_ =	shalt  }
0x7e: {  	_ =	shalt  }
0x7f: {  	_ =	shalt  }
0x80: {  	_ =	shalt  }
0x81: {  	_ =	shalt  }
0x82: {  	_ =	shalt  }
0x83: {  	_ =	shalt  }
0x84: {  	_ =	shalt  }
0x85: {  	_ =	shalt  }
0x86: {  	_ =	shalt  }
0x87: {  	_ =	shalt  }
.Lfunc_end0:
.L_simem_size_0:
called_computation_lowered:
.L_overlay_start_0:
0x88: {  	s2 =	sld [smem:$0x3FD9]  }
0x89: {  	s3 =	sld [smem:$0x3FFE];
	_ =	sdelay $0x1  }
0x8a: {  	s1 =	srdreg.scid  }
0x8b: {  	s0 =	sand.u32 $0x1, s1  }
0x8c: {  	s17 =	sshll.u32 s0, $0xA;
	s2 =	sadd.s32 s3, s2  }
0x8d: {  	s2 =	sadd.s32 s2, s17  }
0x8e: {  	[smem:$0x3FC3] =	sst s2  }
0x8f: {  	_ = 	snop  }
0x90: {  	s2 =	sld [smem:$0x3FC7]  }
0x91: {  	s18 =	sld [smem:$0x3FD0];
	(tm) =	ssettm $0x1  }
0x92: {  	s4 =	sld [smem:$0x3FFB];
	_ =	sdelay $0x3  }
0x93: {  	_ =	strace s4  }
0x94: {  	s4 =	sld [smem:$0x3FFC];
	_ =	sdelay $0x3  }
0x95: {  	_ =	strace s4  }
0x96: {  	s4 =	sld [smem:$0x3FFD];
	_ =	sdelay $0x3  }
0x97: {  	_ =	strace s4  }
0x98: {  	_ =	strace $0x8FFFFFFF  }
0x99: {  	s19 =	sld [smem:$0x3FDB];
	_ =	sdelay $0x1  }
0x9a: {  	s5 =	simm.s32 $_scs_section_size  }
0x9b: {  	s6 =	simm.s32 $_size__tile_overlayer_lowered;
	s7 =	simm.s32 $_tile_overlayer_lowered  }
0x9c: {  	s22 =	simm.s32 $0x1BFF;
	s21 =	sshll.u32 s7, $0x1;
	s4 =	sadd.s32 s5, s19  }
0x9d: {  	s8 =	simm.s32 $0x0;
	s20 =	sshll.u32 s6, $0x1;
	s6 =	sadd.s32 s21, s4  }
0x9e: {  	[timem:s8], [sflag:s22] =	dma.local [hbm:s6], s20  }
0x9f: {  	_ =	swait.ge [sflag:s22], s20  }
0xa0: {  	s5 =	ssub.s32 $0x0, s20;
	[sflag:s22] =	ssyncset.done $0x0  }
0xa1: {  	[sflag:s22] =	ssyncadd.s32 s5;
	_ =	sdelay $0x1  }
0xa2: {  	s23 =	simm.s32 $0x1B8B  }
0xa3: {  	_ =	swait.ge [sflag:s23], $0x1  }
0xa4: {  	[sflag:s23] =	ssyncset.done $0x0  }
0xa5: {  	s25 =	simm.s32 $0x1B8E;
	s24 =	sld [smem:$0x3FFE];
	[sflag:s23] =	ssyncadd.s32 $0xFFFFFFFF  }
0xa6: {  	s26 =	simm.s32 $execute0_lowered;
	[smem:$0x3FD2] =	sst s25  }
0xa7: {  	s6 =	sshll.u32 s26, $0x1;
	_ =	strace $0x80000046;
	[dreg:$0x1] =	wrdreg $0xFFFFFFFF  }
0xa8: {  	s28 =	simm.s32 $_size_execute0_lowered;
	s4 =	sadd.s32 s4, s6;
	[dreg:$0x0] =	wrdreg $0x0  }
0xa9: {  	s6 =	sshll.u32 s28, $0x1;
	[dreg:$0x2] =	wrdreg s4  }
0xaa: {  	[dreg:$0x3] =	wrdreg s6  }
0xab: {  	[dreg:$0x4] =	wrdreg $0xC0  }
0xac: {  	_ =	task [dreg:s8], $0x5FFFF  }
0xad: {  	[dreg:$0x1] =	wrdreg $0xFFFFFFFF  }
0xae: {  	[dreg:$0x0] =	wrdreg $0x60  }
0xaf: {  	[dreg:$0x2] =	wrdreg s2  }
0xb0: {  	[dreg:$0x3] =	wrdreg s24  }
0xb1: {  	[dreg:$0x4] =	wrdreg s18  }
0xb2: {  	[dreg:$0x5] =	wrdreg $0x9  }
0xb3: {  	_ =	task.clear_ibuf [dreg:s8], $0x6FFFF;
	_ =	strace $0x90000046  }
0xb4: {  	s29 =	simm.s32 $0x9;
	_ =	strace $0x80000048  }
0xb5: {  	_ =	swait.ge [sflag:s29], $0x1  }
0xb6: {  	[sflag:s29] =	ssyncadd.s32 $0xFFFFFFFF  }
0xb7: {  	_ =	strace $0x90000048  }
0xb8: {  	_ =	sfence  }
0xb9: {  	s30 =	sld [smem:$0x0];
	_ =	sdelay $0x2  }
0xba: {  	s31 =	sshll.u32 s1, $0xD;
	s1 =	sshrl.u32 s1, $0x2  }
0xbb: {  	s3 =	sand.u32 $0x4000, s31;
	s1 =	sadd.s32 s1, s30  }
0xbc: {  	s0 =	sor.u32 s3, s0;
	s1 =	sshll.u32 s1, $0x11  }
0xbd: {  	s0 =	sor.u32 s1, s0  }
0xbe: {  	s0 =	sadd.s32 $0x8F2B, s0  }
0xbf: {  	[sflag:s0] =	ssyncadd.remote.s32 $0x1  }
0xc0: {  	_ =	sfence.sel $0xFFFF  }
0xc1: {  	[dreg:$0x0] =	wrdreg $0xFFFFFFFF;
	(pc) =	sbr.abs _section_cstart, $3  }
0xc2: {  	[dreg:$0x1] =	wrdreg $0xFFFFFFFF  }
0xc3: {  	_ =	task.clear_ibuf [dreg:s8], $0x2FFFF;
	_ =	strace $0x9FFFFFFF  }
0xc4: {  	(tm) =	ssettm $0x7FFFFFFF  }
0xc5: {  	_ =	shalt  }
tec
execute0_lowered:
.L_overlay_start_1:
0x0: {  	(tag) =	ssettag $0x1  }
0x1: {  	s1 =	rddreg [dreg:$0x0]  }
0x2: {  	s2 =	srdreg.scid;
	s4 =	rddreg [dreg:$0x1]  }
0x3: {  	s0 =	stileid.u32;
	s5 =	rddreg [dreg:$0x2];
	s14 =	simm.s32 $0x880  }
0x4: {  	s15 =	simm.s32 $0x1080;
	s2 =	sand.u32 $0x1, s2;
	s3 =	sshll.u32 s0, $0x1  }
0x5: {  	s16 =	simm.s32 $0x1880;
	s6 =	sor.u32 s2, s3;
	s3 =	simm.s32 $0x0  }
0x6: {  	s17 =	simm.s32 $0x2080;
	s18 =	simm.s32 $0x2880;
	[smem:$0x7FF] =	sst s3  }
0x7: {  	s19 =	simm.s32 $0x3080;
	_ =	strace $0x80000047;
	[dreg:$0x6] =	wrdreg s14  }
0x8: {  	s21 =	simm.s32 $0x3880;
	s22 =	simm.s32 $0x4080;
	[dreg:$0x7] =	wrdreg s15  }
0x9: {  	s23 =	simm.s32 $0x4880;
	s24 =	simm.s32 $0x5080;
	[dreg:$0x8] =	wrdreg s16  }
0xa: {  	s25 =	simm.s32 $0x5880;
	s8 =	simm.s32 $0x80;
	[dreg:$0x9] =	wrdreg s17  }
0xb: {  	s26 =	simm.s32 $0x6080;
	s10 =	simm.s32 $0x7080;
	[dreg:$0xa] =	wrdreg s18  }
0xc: {  	s11 =	simm.s32 $0x7880;
	s12 =	simm.s32 $0x8080;
	[dreg:$0xb] =	wrdreg s19  }
0xd: {  	s13 =	simm.s32 $0x8880;
	s28 =	simm.s32 $0xF880;
	[dreg:$0xc] =	wrdreg s21  }
0xe: {  	s29 =	simm.s32 $0x1;
	s30 =	simm.s32 $0x2;
	[dreg:$0xd] =	wrdreg s22  }
0xf: {  	s31 =	simm.s32 $0x3;
	s2 =	ssub.s32 $0x2, s2;
	[dreg:$0xe] =	wrdreg s23  }
0x10: {  	s7 =	sshll.u32 s6, $0x4;
	s6 =	sshll.u32 s6, $0xD;
	[dreg:$0xf] =	wrdreg s24  }
0x11: {  	s20 =	sshrl.u32 s2, $0x1;
	s4 =	sadd.s32 s7, s4;
	[dreg:$0x10] =	wrdreg s25  }
0x12: {  	s2 =	ssub.s32 s2, s20;
	[dreg:$0x11] =	wrdreg s26;
	s14 =	simm.s32 $0x9080  }
0x13: {  	s15 =	simm.s32 $0x9880;
	s16 =	simm.s32 $0xA080;
	s17 =	simm.s32 $0xA880  }
0x14: {  	s18 =	simm.s32 $0xB080;
	s19 =	simm.s32 $0xB880;
	s20 =	simm.s32 $0xC080  }
0x15: {  	s21 =	simm.s32 $0xC880;
	s22 =	simm.s32 $0xD080;
	s23 =	simm.s32 $0xD880  }
0x16: {  	s24 =	simm.s32 $0xE080;
	s25 =	simm.s32 $0xE880;
	s26 =	simm.s32 $0xF080  }
0x17: {  	v2 =	vlaneseq.u32;
	s7 =	sadd.s32 $0xE00, s4;
	s4 =	sadd.s32 s5, s6;
	s6 =	smax.u32 s2, $0x1  }
0x18: {  	vm0 =	vmmov $0xffff;
	v1 =	vshrl.u32 v2, $0x3;
	s2 =	simm.s32 $0x4;
	[dreg:$0x4] =	wrdreg s7;
	s5 =	sadd.s32 $0x1000, s4  }
0x19: {  	v0 =	vand.u32 $0x7, v2;
	v2 =	vor.u32 $0x8, v2;
	v1 =	vmul.u32 $0x8, v1;
	s7 =	simm.s32 $0x5;
	[dreg:$0x5] =	wrdreg s5;
	s5 =	sadd.s32 $0x100, s1  }
.LBB2_1:
0x1a: {  	s0 =	rddreg [dreg:$0x4]  }
0x1b: {  	[tilespmem:s3], [sflag:$0x5] =	stream.linear.gather [hbm4b:s0+s3], $0x80, $0x38;
	[tilespmem:$0x10080] =	vst v63  }
0x1c: {  	_ =	swait.ge [sflag:s7], $0x80  }
0x1d: {  	[sflag:s7] =	ssyncset.done $0x0  }
0x1e: {  	[sflag:s7] =	ssyncadd.s32 $0xFFFFFF80  }
0x1f: {  	v3 =	vld [tilespmem:$0x0];
	_ =	sdelay $0x4  }
0x20: {  	v4 =	vshll.u32 v3, $0x2  }
0x21: {  	v3 =	vand.u32 $0x7, v3;
	v4 =	vand.u32 $0xFFFFFFE0, v4  }
0x22: {  	v3 =	vor.u32 v3, v4  }
0x23: {  	v4 =	vperm.xlane v3, v0;
	_ =	sdelay $0x1  }
0x24: {  	v4 =	vadd.s32 v1, v4;
	_ =	sdelay $0x1  }
0x25: {  	v3 =	vperm.xlane v3, v2;
	_ =	sdelay $0x1  }
0x26: {  	v3 =	vadd.s32 v1, v3  }
0x27: {  	[tilespmem:s8], [sflag:$0x1] =	stream.indirect_vreg.gather [hbm4b:s1+s3], $0x80, v4, vm0, $0xb8;
	[tilespmem:$0x10080] =	vst v63  }
0x28: {  	s0 =	rddreg [dreg:$0x6]  }
0x29: {  	[tilespmem:s0], [sflag:$0x1] =	stream.indirect_vreg.gather [hbm4b:s5+s3], $0x80, v4, vm0, $0xb8;
	[tilespmem:$0x10080] =	vst v63  }
0x2a: {  	s9 =	rddreg [dreg:$0x7]  }
0x2b: {  	[tilespmem:s9], [sflag:$0x1] =	stream.indirect_vreg.gather [hbm4b:s1+s3], $0x80, v3, vm0, $0xb8;
	[tilespmem:$0x10080] =	vst v63  }
0x2c: {  	s0 =	rddreg [dreg:$0x8]  }
0x2d: {  	[tilespmem:s0], [sflag:$0x1] =	stream.indirect_vreg.gather [hbm4b:s5+s3], $0x80, v3, vm0, $0xb8;
	[tilespmem:$0x10080] =	vst v63  }
0x2e: {  	v3 =	vld [tilespmem:$0x10];
	_ =	sdelay $0x4  }
0x2f: {  	v57 =	vshll.u32 v3, $0x2  }
0x30: {  	v3 =	vand.u32 $0x7, v3;
	v4 =	vand.u32 $0xFFFFFFE0, v57  }
0x31: {  	v3 =	vor.u32 v3, v4  }
0x32: {  	v4 =	vperm.xlane v3, v0;
	_ =	sdelay $0x1  }
0x33: {  	v4 =	vadd.s32 v1, v4;
	_ =	sdelay $0x1  }
0x34: {  	v3 =	vperm.xlane v3, v2;
	_ =	sdelay $0x1  }
0x35: {  	s0 =	rddreg [dreg:$0x9];
	v3 =	vadd.s32 v1, v3  }
0x36: {  	[tilespmem:s0], [sflag:$0x1] =	stream.indirect_vreg.gather [hbm4b:s1+s3], $0x80, v4, vm0, $0xb8;
	[tilespmem:$0x10080] =	vst v63  }
0x37: {  	s9 =	rddreg [dreg:$0xa]  }
0x38: {  	[tilespmem:s9], [sflag:$0x1] =	stream.indirect_vreg.gather [hbm4b:s5+s3], $0x80, v4, vm0, $0xb8;
	[tilespmem:$0x10080] =	vst v63  }
0x39: {  	s0 =	rddreg [dreg:$0xb]  }
0x3a: {  	[tilespmem:s0], [sflag:$0x1] =	stream.indirect_vreg.gather [hbm4b:s1+s3], $0x80, v3, vm0, $0xb8;
	[tilespmem:$0x10080] =	vst v63  }
0x3b: {  	s9 =	rddreg [dreg:$0xc]  }
0x3c: {  	[tilespmem:s9], [sflag:$0x1] =	stream.indirect_vreg.gather [hbm4b:s5+s3], $0x80, v3, vm0, $0xb8;
	[tilespmem:$0x10080] =	vst v63  }
0x3d: {  	v3 =	vld [tilespmem:$0x20];
	_ =	sdelay $0x4  }
0x3e: {  	v58 =	vshll.u32 v3, $0x2  }
0x3f: {  	v3 =	vand.u32 $0x7, v3;
	v4 =	vand.u32 $0xFFFFFFE0, v58  }
0x40: {  	v3 =	vor.u32 v3, v4  }
0x41: {  	v4 =	vperm.xlane v3, v0;
	_ =	sdelay $0x1  }
0x42: {  	v4 =	vadd.s32 v1, v4;
	_ =	sdelay $0x1  }
0x43: {  	v3 =	vperm.xlane v3, v2;
	_ =	sdelay $0x1  }
0x44: {  	s0 =	rddreg [dreg:$0xd];
	v3 =	vadd.s32 v1, v3  }
0x45: {  	[tilespmem:s0], [sflag:$0x1] =	stream.indirect_vreg.gather [hbm4b:s1+s3], $0x80, v4, vm0, $0xb8;
	[tilespmem:$0x10080] =	vst v63  }
0x46: {  	s9 =	rddreg [dreg:$0xe]  }
0x47: {  	[tilespmem:s9], [sflag:$0x1] =	stream.indirect_vreg.gather [hbm4b:s5+s3], $0x80, v4, vm0, $0xb8;
	[tilespmem:$0x10080] =	vst v63  }
0x48: {  	s0 =	rddreg [dreg:$0xf]  }
0x49: {  	[tilespmem:s0], [sflag:$0x1] =	stream.indirect_vreg.gather [hbm4b:s1+s3], $0x80, v3, vm0, $0xb8;
	[tilespmem:$0x10080] =	vst v63  }
0x4a: {  	s9 =	rddreg [dreg:$0x10]  }
0x4b: {  	[tilespmem:s9], [sflag:$0x1] =	stream.indirect_vreg.gather [hbm4b:s5+s3], $0x80, v3, vm0, $0xb8;
	[tilespmem:$0x10080] =	vst v63  }
0x4c: {  	v3 =	vld [tilespmem:$0x30];
	_ =	sdelay $0x4  }
0x4d: {  	v59 =	vshll.u32 v3, $0x2  }
0x4e: {  	v3 =	vand.u32 $0x7, v3;
	v4 =	vand.u32 $0xFFFFFFE0, v59  }
0x4f: {  	v3 =	vor.u32 v3, v4  }
0x50: {  	v4 =	vperm.xlane v3, v0;
	_ =	sdelay $0x1  }
0x51: {  	v4 =	vadd.s32 v1, v4;
	_ =	sdelay $0x1  }
0x52: {  	v3 =	vperm.xlane v3, v2;
	_ =	sdelay $0x1  }
0x53: {  	s9 =	rddreg [dreg:$0x11];
	v3 =	vadd.s32 v1, v3  }
0x54: {  	[tilespmem:s9], [sflag:$0x1] =	stream.indirect_vreg.gather [hbm4b:s1+s3], $0x80, v4, vm0, $0xb8;
	[tilespmem:$0x10080] =	vst v63  }
0x55: {  	s9 =	simm.s32 $0x6880  }
0x56: {  	[tilespmem:s9], [sflag:$0x1] =	stream.indirect_vreg.gather [hbm4b:s5+s3], $0x80, v4, vm0, $0xb8;
	[tilespmem:$0x10080] =	vst v63  }
0x57: {  	_ = 	snop  }
0x58: {  	[tilespmem:s10], [sflag:$0x1] =	stream.indirect_vreg.gather [hbm4b:s1+s3], $0x80, v3, vm0, $0xb8;
	[tilespmem:$0x10080] =	vst v63  }
0x59: {  	_ = 	snop  }
0x5a: {  	[tilespmem:s11], [sflag:$0x1] =	stream.indirect_vreg.gather [hbm4b:s5+s3], $0x80, v3, vm0, $0xb8;
	[tilespmem:$0x10080] =	vst v63  }
0x5b: {  	v3 =	vld [tilespmem:$0x40];
	_ =	sdelay $0x4  }
0x5c: {  	v60 =	vshll.u32 v3, $0x2  }
0x5d: {  	v3 =	vand.u32 $0x7, v3;
	v4 =	vand.u32 $0xFFFFFFE0, v60  }
0x5e: {  	v3 =	vor.u32 v3, v4  }
0x5f: {  	v4 =	vperm.xlane v3, v0;
	_ =	sdelay $0x1  }
0x60: {  	v4 =	vadd.s32 v1, v4;
	_ =	sdelay $0x1  }
0x61: {  	v3 =	vperm.xlane v3, v2;
	_ =	sdelay $0x1  }
0x62: {  	v3 =	vadd.s32 v1, v3  }
0x63: {  	[tilespmem:s12], [sflag:$0x2] =	stream.indirect_vreg.gather [hbm4b:s1+s3], $0x80, v4, vm0, $0xb8;
	[tilespmem:$0x10080] =	vst v63  }
0x64: {  	_ = 	snop  }
0x65: {  	[tilespmem:s13], [sflag:$0x2] =	stream.indirect_vreg.gather [hbm4b:s5+s3], $0x80, v4, vm0, $0xb8;
	[tilespmem:$0x10080] =	vst v63  }
0x66: {  	_ = 	snop  }
0x67: {  	[tilespmem:s14], [sflag:$0x2] =	stream.indirect_vreg.gather [hbm4b:s1+s3], $0x80, v3, vm0, $0xb8;
	[tilespmem:$0x10080] =	vst v63  }
0x68: {  	_ = 	snop  }
0x69: {  	[tilespmem:s15], [sflag:$0x2] =	stream.indirect_vreg.gather [hbm4b:s5+s3], $0x80, v3, vm0, $0xb8;
	[tilespmem:$0x10080] =	vst v63  }
0x6a: {  	v3 =	vld [tilespmem:$0x50];
	_ =	sdelay $0x4  }
0x6b: {  	v61 =	vshll.u32 v3, $0x2  }
0x6c: {  	v3 =	vand.u32 $0x7, v3;
	v4 =	vand.u32 $0xFFFFFFE0, v61  }
0x6d: {  	v3 =	vor.u32 v3, v4  }
0x6e: {  	v4 =	vperm.xlane v3, v0;
	_ =	sdelay $0x1  }
0x6f: {  	v4 =	vadd.s32 v1, v4;
	_ =	sdelay $0x1  }
0x70: {  	v3 =	vperm.xlane v3, v2;
	_ =	sdelay $0x1  }
0x71: {  	v3 =	vadd.s32 v1, v3  }
0x72: {  	[tilespmem:s16], [sflag:$0x2] =	stream.indirect_vreg.gather [hbm4b:s1+s3], $0x80, v4, vm0, $0xb8;
	[tilespmem:$0x10080] =	vst v63  }
0x73: {  	_ = 	snop  }
0x74: {  	[tilespmem:s17], [sflag:$0x2] =	stream.indirect_vreg.gather [hbm4b:s5+s3], $0x80, v4, vm0, $0xb8;
	[tilespmem:$0x10080] =	vst v63  }
0x75: {  	_ = 	snop  }
0x76: {  	[tilespmem:s18], [sflag:$0x2] =	stream.indirect_vreg.gather [hbm4b:s1+s3], $0x80, v3, vm0, $0xb8;
	[tilespmem:$0x10080] =	vst v63  }
0x77: {  	_ = 	snop  }
0x78: {  	[tilespmem:s19], [sflag:$0x2] =	stream.indirect_vreg.gather [hbm4b:s5+s3], $0x80, v3, vm0, $0xb8;
	[tilespmem:$0x10080] =	vst v63  }
0x79: {  	v3 =	vld [tilespmem:$0x60];
	_ =	sdelay $0x4  }
0x7a: {  	v62 =	vshll.u32 v3, $0x2  }
0x7b: {  	v3 =	vand.u32 $0x7, v3;
	v4 =	vand.u32 $0xFFFFFFE0, v62  }
0x7c: {  	v3 =	vor.u32 v3, v4  }
0x7d: {  	v4 =	vperm.xlane v3, v0;
	_ =	sdelay $0x1  }
0x7e: {  	v4 =	vadd.s32 v1, v4;
	_ =	sdelay $0x1  }
0x7f: {  	v3 =	vperm.xlane v3, v2;
	_ =	sdelay $0x1  }
0x80: {  	v3 =	vadd.s32 v1, v3  }
0x81: {  	[tilespmem:s20], [sflag:$0x2] =	stream.indirect_vreg.gather [hbm4b:s1+s3], $0x80, v4, vm0, $0xb8;
	[tilespmem:$0x10080] =	vst v63  }
0x82: {  	_ = 	snop  }
0x83: {  	[tilespmem:s21], [sflag:$0x2] =	stream.indirect_vreg.gather [hbm4b:s5+s3], $0x80, v4, vm0, $0xb8;
	[tilespmem:$0x10080] =	vst v63  }
0x84: {  	_ = 	snop  }
0x85: {  	[tilespmem:s22], [sflag:$0x2] =	stream.indirect_vreg.gather [hbm4b:s1+s3], $0x80, v3, vm0, $0xb8;
	[tilespmem:$0x10080] =	vst v63  }
0x86: {  	_ = 	snop  }
0x87: {  	[tilespmem:s23], [sflag:$0x2] =	stream.indirect_vreg.gather [hbm4b:s5+s3], $0x80, v3, vm0, $0xb8;
	[tilespmem:$0x10080] =	vst v63  }
0x88: {  	v3 =	vld [tilespmem:$0x70];
	_ =	sdelay $0x4  }
0x89: {  	v63 =	vshll.u32 v3, $0x2  }
0x8a: {  	v3 =	vand.u32 $0x7, v3;
	v4 =	vand.u32 $0xFFFFFFE0, v63  }
0x8b: {  	v3 =	vor.u32 v3, v4  }
0x8c: {  	v4 =	vperm.xlane v3, v0;
	_ =	sdelay $0x1  }
0x8d: {  	v4 =	vadd.s32 v1, v4;
	_ =	sdelay $0x1  }
0x8e: {  	v3 =	vperm.xlane v3, v2;
	_ =	sdelay $0x1  }
0x8f: {  	v3 =	vadd.s32 v1, v3  }
0x90: {  	[tilespmem:s24], [sflag:$0x2] =	stream.indirect_vreg.gather [hbm4b:s1+s3], $0x80, v4, vm0, $0xb8;
	[tilespmem:$0x10080] =	vst v63  }
0x91: {  	_ = 	snop  }
0x92: {  	[tilespmem:s25], [sflag:$0x2] =	stream.indirect_vreg.gather [hbm4b:s5+s3], $0x80, v4, vm0, $0xb8;
	[tilespmem:$0x10080] =	vst v63  }
0x93: {  	_ = 	snop  }
0x94: {  	[tilespmem:s26], [sflag:$0x2] =	stream.indirect_vreg.gather [hbm4b:s1+s3], $0x80, v3, vm0, $0xb8;
	[tilespmem:$0x10080] =	vst v63  }
0x95: {  	_ = 	snop  }
0x96: {  	[tilespmem:s28], [sflag:$0x2] =	stream.indirect_vreg.gather [hbm4b:s5+s3], $0x80, v3, vm0, $0xb8;
	[tilespmem:$0x10080] =	vst v63  }
0x97: {  	_ =	swait.ge [sflag:s29], $0x8000  }
0x98: {  	[sflag:s29] =	ssyncset.done $0x0  }
0x99: {  	[sflag:s29] =	ssyncadd.s32 $0xFFFF8000  }
0x9a: {  	[hbm4b:s4+s3] =	stream.linear.scatter [tilespmem:s8], [sflag:$0x3], $0x8000, $0x38;
	[tilespmem:$0x10080] =	vst v63  }
0x9b: {  	_ =	swait.ge [sflag:s30], $0x8000  }
0x9c: {  	[sflag:s30] =	ssyncset.done $0x0  }
0x9d: {  	s9 =	rddreg [dreg:$0x5];
	[sflag:s30] =	ssyncadd.s32 $0xFFFF8000  }
0x9e: {  	[hbm4b:s9+s3] =	stream.linear.scatter [tilespmem:s12], [sflag:$0x4], $0x8000, $0x38;
	[tilespmem:$0x10080] =	vst v63  }
0x9f: {  	p0 =	sne.s32 s6, $0x1;
	_ =	swait.ge [sflag:s31], $0x8000  }
.Ltmp0:
0xa0: {  	[sflag:s31] =	ssyncset.done $0x0;
	(pc) =	sbr.rel @p0 .LBB2_1-.Ltmp0, $4  }
0xa1: {  	[sflag:s31] =	ssyncadd.s32 $0xFFFF8000  }
0xa2: {  	_ =	swait.ge [sflag:s2], $0x8000  }
0xa3: {  	[sflag:s2] =	ssyncset.done $0x0  }
0xa4: {  	s6 =	sadd.s32 $0xFFFFFFFF, s6;
	[sflag:s2] =	ssyncadd.s32 $0xFFFF8000  }
0xa5: {  	_ =	sfence.sel $0x180000  }
0xa6: {  	[bflag:$0x0] =	sbarrier.arrive $0xFFFF  }
0xa7: {  	_ =	strace $0x90000047  }
0xa8: {  	s0 =	stileid.u32;
	[bflag:$0x2] =	sbarrier.arrive $0xFFFF  }
0xa9: {  	p0 =	sne.s32 s0, $0x0;
	s0 =	rddreg [dreg:$0x3]  }
0xaa: {  	s0 =	sadd.s32 @!p0 $0x100000, s0  }
0xab: {  	[sflag:s0] =	ssyncadd.tile.s32 @!p0 $0x1;
	_ =	shalt  }
.Lfunc_end2:
_tile_overlayer_lowered:
.L_overlay_start_2:
0xac: {  	(tag) =	ssettag $0x2  }
0xad: {  	s0 =	rddreg [dreg:$0x0];
	s2 =	stileid.u32  }
0xae: {  	s1 =	rddreg [dreg:$0x1];
	p0 =	sne.s32 s2, $0x0  }
0xaf: {  	s3 =	rddreg [dreg:$0x2];
	[bflag:$0x3] =	sbarrier.arrive $0xFFFF;
	s2 =	simm.s32 @!p0 $0x1C05  }
0xb0: {  	[timem:s3], [sflag:s2] =	dma.local @!p0 [hbm:s0], s1  }
0xb1: {  	s0 =	simm.s32 @!p0 $0x5  }
0xb2: {  	_ =	swait.ge @!p0 [sflag:s0], s1  }
0xb3: {  	s1 =	ssub.s32 @!p0 $0x0, s1;
	[sflag:s0] =	ssyncset.done @!p0 $0x0  }
0xb4: {  	[sflag:s0] =	ssyncadd.s32 @!p0 s1  }
0xb5: {  	[bflag:$0x3] =	sbarrier.arrive $0xFFFF  }
0xb6: {  	_ =	shalt  }

</sc_bundles>
